<compile_context>
chip_gen: v7x
topology: tpu7x:2x2x1
jax: 0.10.2.dev20260603
libtpu: 0.0.44.dev20260713+nightly
codegen_flags: <defaults>
</compile_context>

<pallas_src>
import jax
import jax.numpy as jnp
import numpy as np
from jax.experimental import pallas as pl
from jax.experimental.pallas import tpu as pltpu

_ANCHORS = np.array(
    [[[10., 13.], [16., 30.], [33., 23.]],
     [[30., 61.], [62., 45.], [59., 119.]],
     [[116., 90.], [156., 198.], [373., 326.]]], dtype=np.float32)
_ANCHOR_T = 4.0
_BALANCE = (4.0, 1.0, 0.4)
_BOX_W, _CLS_W, _OBJ_W = 0.05, 0.5, 1.0
_NC = 7
_NA = 3


def _softplus(x):
    return jnp.maximum(x, 0.0) + jnp.log1p(jnp.exp(-jnp.abs(x)))


def _fused_kernel(p3r, p4r, p5r, m3r, m4r, m5r, ps_ref, bt_ref, cls_ref,
                  mf_ref, o_ref):
    a = pl.program_id(0)

    @pl.when(a == 0)
    def _init_and_sparse():
        for l in range(3):
            o_ref[l, 3] = 0.0
            o_ref[l, 4] = 0.0
        _sparse_body(ps_ref, bt_ref, cls_ref, mf_ref, o_ref)

    for l, (pr, mr) in enumerate(((p3r, m3r), (p4r, m4r), (p5r, m5r))):
        x = pr[...]
        o_ref[l, 3] += jnp.sum(_softplus(x))
        o_ref[l, 4] += jnp.sum(mr[...] * x)


def _sparse_body(ps_ref, bt_ref, cls_ref, mf_ref, o_ref):
    nl = ps_ref.shape[0]
    m = ps_ref.shape[2]
    for l in range(nl):
        ps = ps_ref[l]
        bt = bt_ref[l]
        cls = cls_ref[l]
        mf = mf_ref[l]

        b1x, b1y, b1w, b1h = ps[0:1], ps[1:2], ps[2:3], ps[3:4]
        b2x, b2y, b2w, b2h = bt[0:1], bt[1:2], bt[2:3], bt[3:4]
        b1x1 = b1x - b1w * 0.5
        b1x2 = b1x + b1w * 0.5
        b1y1 = b1y - b1h * 0.5
        b1y2 = b1y + b1h * 0.5
        b2x1 = b2x - b2w * 0.5
        b2x2 = b2x + b2w * 0.5
        b2y1 = b2y - b2h * 0.5
        b2y2 = b2y + b2h * 0.5
        iw = jnp.maximum(jnp.minimum(b1x2, b2x2) - jnp.maximum(b1x1, b2x1), 0.0)
        ih = jnp.maximum(jnp.minimum(b1y2, b2y2) - jnp.maximum(b1y1, b2y1), 0.0)
        inter = iw * ih
        union = ((b1x2 - b1x1) * (b1y2 - b1y1)
                 + (b2x2 - b2x1) * (b2y2 - b2y1) - inter + 1e-7)
        iou = inter / union
        box_sum = jnp.sum(mf * (1.0 - iou))

        xc = ps[5:12]
        tc = (jax.lax.broadcasted_iota(jnp.int32, (_NC, m), 0).astype(jnp.float32)
              == cls)
        tc = tc.astype(jnp.float32)
        bce = jnp.maximum(xc, 0.0) - xc * tc + jnp.log1p(jnp.exp(-jnp.abs(xc)))
        cls_sum = jnp.sum(mf * bce)

        cnt = jnp.sum(mf)

        o_ref[l, 0] = box_sum
        o_ref[l, 1] = cls_sum
        o_ref[l, 2] = cnt


def _fused_call(preds, tmasks, psel_t, box_t, cls_r, mf_r):
    dense_specs = []
    for p in preds:
        bs, _, gh, gw = p.shape
        dense_specs.append(
            pl.BlockSpec((bs, 1, gh, gw), lambda a: (0, 4 + 12 * a, 0, 0)))
    for t in tmasks:
        bs, _, gh, gw = t.shape
        dense_specs.append(pl.BlockSpec((bs, 1, gh, gw), lambda a: (0, a, 0, 0)))
    full3 = [pl.BlockSpec(x.shape, lambda a: (0, 0, 0))
             for x in (psel_t, box_t, cls_r, mf_r)]
    return pl.pallas_call(
        _fused_kernel,
        grid=(_NA,),
        in_specs=dense_specs + full3,
        out_specs=pl.BlockSpec((3, 8), lambda a: (0, 0), memory_space=pltpu.SMEM),
        out_shape=jax.ShapeDtypeStruct((3, 8), jnp.float32),
    )(*preds, *tmasks, psel_t, box_t, cls_r, mf_r)


def _prep_level(bt, bs, gh, gw, layer):
    nt = bt.shape[0]
    valid = jnp.isfinite(bt).all(1) & (bt[:, 1:5] > 0).all(1)
    av = jnp.asarray(_ANCHORS[layer])
    r = bt[:, 3:5][:, None, :] / av[None, :, :]
    j = jnp.maximum(r, 1.0 / r).max(2) < _ANCHOR_T
    mask = (valid[:, None] & j).reshape(-1)
    gx = bt[:, 2] * gw
    gy = bt[:, 3] * gh
    gi = jnp.clip(jnp.floor(gx).astype(jnp.int32), 0, gw - 1)
    gj = jnp.clip(jnp.floor(gy).astype(jnp.int32), 0, gh - 1)
    b = jnp.clip(bt[:, 0].astype(jnp.int32), 0, bs - 1)

    box_t = jnp.stack([
        jnp.broadcast_to((gx - gi)[:, None], (nt, _NA)),
        jnp.broadcast_to((gy - gj)[:, None], (nt, _NA)),
        bt[:, 3][:, None] / av[None, :, 0],
        bt[:, 4][:, None] / av[None, :, 1],
    ], axis=2).astype(jnp.float32).reshape(-1, 4)
    cls_t = jnp.clip(bt[:, 1].astype(jnp.int32), 0, _NC - 1)

    a_b = jnp.broadcast_to(jnp.arange(_NA, dtype=jnp.int32)[None, :], (nt, _NA)).reshape(-1)
    b_b = jnp.broadcast_to(b[:, None], (nt, _NA)).reshape(-1)
    gj_b = jnp.broadcast_to(gj[:, None], (nt, _NA)).reshape(-1)
    gi_b = jnp.broadcast_to(gi[:, None], (nt, _NA)).reshape(-1)
    cls_b = jnp.broadcast_to(cls_t[:, None], (nt, _NA)).reshape(-1)

    hw = gh * gw
    cell = ((b_b * _NA + a_b) * gh + gj_b) * gw + gi_b
    chan0 = (b_b * 36 + a_b * 12) * hw + gj_b * gw + gi_b
    idx = chan0[:, None] + (jnp.arange(12, dtype=jnp.int32) * hw)[None, :]

    mf = mask.astype(jnp.float32)
    big = bs * _NA * hw
    ids = jnp.where(mask, cell, big)
    tmask = (jnp.zeros((big,), jnp.float32)
             .at[ids].set(1.0, mode="drop")
             .reshape(bs, _NA, gh, gw))
    return idx, box_t, cls_b, mf, tmask


def _yolo_loss(p3, p4, p5, targets):
    preds = [p3, p4, p5]
    bt = targets.astype(jnp.float32)

    tmasks = []
    psel_ts, box_ts, cls_rs, mf_rs, inv_ns = [], [], [], [], []
    for i, pred in enumerate(preds):
        bs, _, gh, gw = pred.shape
        idx, box_t, cls_b, mf, tmask = _prep_level(bt, bs, gh, gw, i)
        psel = pred.reshape(-1)[idx]
        psel_ts.append(psel.T)
        box_ts.append(box_t.T)
        cls_rs.append(cls_b.astype(jnp.float32)[None, :])
        mf_rs.append(mf[None, :])
        inv_ns.append(1.0 / (bs * _NA * gh * gw))
        tmasks.append(tmask)

    out = _fused_call(preds, tmasks, jnp.stack(psel_ts), jnp.stack(box_ts),
                      jnp.stack(cls_rs), jnp.stack(mf_rs))
    box_sums, cls_sums, cnts = out[:, 0], out[:, 1], out[:, 2]
    obj_sums, corrs = out[:, 3], out[:, 4]

    safe = jnp.maximum(cnts, 1.0)
    has = (cnts > 0).astype(jnp.float32)
    nlay = jnp.maximum(has.sum(), 1.0)
    obj_l = (obj_sums - corrs) * jnp.asarray(inv_ns, jnp.float32)
    obj_l = obj_l * jnp.asarray(_BALANCE, jnp.float32)

    lbox = (jnp.sum((box_sums / safe) * has) / nlay) * _BOX_W
    lobj = jnp.mean(obj_l) * _OBJ_W
    lcls = (jnp.sum((cls_sums / (safe * _NC)) * has) / nlay) * _CLS_W
    loss = lbox + lobj + lcls
    return loss, lbox, lobj, lcls


_jitted = jax.jit(_yolo_loss)


def kernel(p3, p4, p5, targets):
    return _jitted(p3, p4, p5, targets)

# --- scband reference (transcript-rebuilt; emitter-appended) ---
"""Pipeline reference for scband-yololoss-63934883168793 (READ-ONLY COPY).

The authoritative reference and input builder live on the scoring server;
editing this copy changes nothing except your own understanding.
"""

import jax, jax.numpy as jnp
import numpy as np

ANCHORS = np.array([[[10.,13.],[16.,30.],[33.,23.]],[[30.,61.],[62.,45.],[59.,119.]],[[116.,90.],[156.,198.],[373.,326.]]], dtype=np.float32)
ANCHOR_T = 4.0
BALANCE = [4.0, 1.0, 0.4]
BOX_W, CLS_W, OBJ_W = 0.05, 0.5, 1.0
NC = 7
NA = 3


def _bce_logits(x, t):
    return jnp.maximum(x, 0.0) - x * t + jnp.log1p(jnp.exp(-jnp.abs(x)))


def _box_iou_xywh(b1, b2, eps=1e-7):
    b1x1 = b1[:, 0] - b1[:, 2] / 2; b1x2 = b1[:, 0] + b1[:, 2] / 2
    b1y1 = b1[:, 1] - b1[:, 3] / 2; b1y2 = b1[:, 1] + b1[:, 3] / 2
    b2x1 = b2[:, 0] - b2[:, 2] / 2; b2x2 = b2[:, 0] + b2[:, 2] / 2
    b2y1 = b2[:, 1] - b2[:, 3] / 2; b2y2 = b2[:, 1] + b2[:, 3] / 2
    iw = jnp.clip(jnp.minimum(b1x2, b2x2) - jnp.maximum(b1x1, b2x1), 0.0)
    ih = jnp.clip(jnp.minimum(b1y2, b2y2) - jnp.maximum(b1y1, b2y1), 0.0)
    inter = iw * ih
    union = (b1x2 - b1x1) * (b1y2 - b1y1) + (b2x2 - b2x1) * (b2y2 - b2y1) - inter + eps
    return inter / union


def _build_targets(targets, batch_size, grid_h, grid_w, layer_idx):
    bt = targets.astype(jnp.float32)
    nt = bt.shape[0]
    valid = jnp.isfinite(bt).all(1) & (bt[:, 1:5] > 0).all(1)
    anchor_vec = jnp.asarray(ANCHORS[layer_idx])
    gwh = bt[:, 3:5]
    r = gwh[:, None, :] / anchor_vec[None, :, :]
    j = jnp.maximum(r, 1.0 / r).max(2) < ANCHOR_T
    mask = valid[:, None] & j
    gx = bt[:, 2] * grid_w
    gy = bt[:, 3] * grid_h
    gi = jnp.clip(jnp.floor(gx).astype(jnp.int32), 0, grid_w - 1)
    gj = jnp.clip(jnp.floor(gy).astype(jnp.int32), 0, grid_h - 1)
    b = jnp.clip(bt[:, 0].astype(jnp.int32), 0, batch_size - 1)
    a_idx = jnp.broadcast_to(jnp.arange(NA, dtype=jnp.int32)[None, :], (nt, NA))
    box_t = jnp.stack([
        jnp.broadcast_to((gx - gi)[:, None], (nt, NA)),
        jnp.broadcast_to((gy - gj)[:, None], (nt, NA)),
        bt[:, 3][:, None] / anchor_vec[None, :, 0],
        bt[:, 4][:, None] / anchor_vec[None, :, 1],
    ], axis=2).astype(jnp.float32)
    cls_t = jnp.clip(bt[:, 1].astype(jnp.int32), 0, NC - 1)
    b_b = jnp.broadcast_to(b[:, None], (nt, NA)).reshape(-1)
    gj_b = jnp.broadcast_to(gj[:, None], (nt, NA)).reshape(-1)
    gi_b = jnp.broadcast_to(gi[:, None], (nt, NA)).reshape(-1)
    cls_b = jnp.broadcast_to(cls_t[:, None], (nt, NA)).reshape(-1)
    return b_b, a_idx.reshape(-1), gj_b, gi_b, box_t.reshape(-1, 4), cls_b, mask.reshape(-1)


def setup_inputs(seed: int = 0):
    key = jax.random.key(seed)
    ks = jax.random.split(key, 8)
    p3 = jax.random.normal(ks[0], (32, 36, 80, 80), jnp.float32)
    p4 = jax.random.normal(ks[1], (32, 36, 40, 40), jnp.float32)
    p5 = jax.random.normal(ks[2], (32, 36, 20, 20), jnp.float32)
    nt = 4000
    img = jax.random.randint(ks[3], (nt,), 0, 32).astype(jnp.float32)
    cls = jax.random.randint(ks[4], (nt,), 1, NC).astype(jnp.float32)
    x = jax.random.uniform(ks[5], (nt,), jnp.float32, 0.02, 0.98)
    wh = jax.random.uniform(ks[6], (nt, 2), jnp.float32, 10.0, 350.0)
    h2 = jax.random.uniform(ks[7], (nt,), jnp.float32, 10.0, 350.0)
    targets = jnp.stack([img, cls, x, wh[:, 0], wh[:, 1], h2], axis=1)
    return {"p3": p3, "p4": p4, "p5": p5, "targets": targets}


def reference(p3, p4, p5, targets):
    preds = [p3, p4, p5]
    box_terms, obj_losses, cls_terms, has_terms = [], [], [], []
    for i, pred in enumerate(preds):
        bs, _, gh, gw = pred.shape
        p = pred.reshape(bs, NA, 5 + NC, gh, gw).transpose(0, 1, 3, 4, 2)
        b, a, gj, gi, box_t, cls_t, m = _build_targets(targets, bs, gh, gw, i)
        mf = m.astype(jnp.float32)
        cnt = mf.sum()
        safe = jnp.maximum(cnt, 1.0)
        psel = p[b, a, gj, gi]
        iou = _box_iou_xywh(psel[:, :4], box_t)
        box_terms.append(jnp.sum(mf * (1.0 - iou)) / safe)
        tcls = jax.nn.one_hot(cls_t, NC, dtype=jnp.float32)
        cls_terms.append(jnp.sum(mf[:, None] * _bce_logits(psel[:, 5:], tcls)) / (safe * NC))
        has_terms.append((cnt > 0).astype(jnp.float32))
        tobj = jnp.zeros((bs, NA, gh, gw), jnp.float32)
        tobj = tobj.at[b, a, gj, gi].max(mf)
        obj_losses.append(_bce_logits(p[..., 4], tobj).mean() * BALANCE[i])
    has = jnp.stack(has_terms)
    nlay = jnp.maximum(has.sum(), 1.0)
    lbox = (jnp.sum(jnp.stack(box_terms) * has) / nlay) * BOX_W
    lobj = jnp.stack(obj_losses).mean() * OBJ_W
    lcls = (jnp.sum(jnp.stack(cls_terms) * has) / nlay) * CLS_W
    loss = lbox + lobj + lcls
    return loss, lbox, lobj, lcls

if __name__ == "__main__":
    import jax
    _d = setup_inputs()
    print(jax.jit(kernel)(*tuple(_d.values())))

</pallas_src>

<mosaic_0001>
module attributes {stable_mosaic.version = 14 : i64} {
  func.func @_fused_kernel(%arg0: i32, %arg1: memref<32x1x80x80xf32, #tpu.memory_space<vmem>>, %arg2: memref<32x1x40x40xf32, #tpu.memory_space<vmem>>, %arg3: memref<32x1x20x20xf32, #tpu.memory_space<vmem>>, %arg4: memref<32x1x80x80xf32, #tpu.memory_space<vmem>>, %arg5: memref<32x1x40x40xf32, #tpu.memory_space<vmem>>, %arg6: memref<32x1x20x20xf32, #tpu.memory_space<vmem>>, %arg7: memref<3x12x12000xf32, #tpu.memory_space<vmem>>, %arg8: memref<3x4x12000xf32, #tpu.memory_space<vmem>>, %arg9: memref<3x1x12000xf32, #tpu.memory_space<vmem>>, %arg10: memref<3x1x12000xf32, #tpu.memory_space<vmem>>, %arg11: memref<3x8xf32, #tpu.memory_space<smem>>) attributes {dimension_semantics = [#tpu.dimension_semantics<arbitrary>], iteration_bounds = array<i64: 3>, scalar_prefetch = 0 : i64, scratch_operands = 0 : i64, tpu.core_type = #tpu.core_type<tc>, window_params = [{transform_indices = @transform_0, window_bounds = array<i64: 32, 1, 80, 80>}, {transform_indices = @transform_1, window_bounds = array<i64: 32, 1, 40, 40>}, {transform_indices = @transform_2, window_bounds = array<i64: 32, 1, 20, 20>}, {transform_indices = @transform_3, window_bounds = array<i64: 32, 1, 80, 80>}, {transform_indices = @transform_4, window_bounds = array<i64: 32, 1, 40, 40>}, {transform_indices = @transform_5, window_bounds = array<i64: 32, 1, 20, 20>}, {pipeline_mode = #tpu.pipeline_mode<synchronous>, transform_indices = @transform_6, window_bounds = array<i64: 3, 12, 12000>}, {pipeline_mode = #tpu.pipeline_mode<synchronous>, transform_indices = @transform_7, window_bounds = array<i64: 3, 4, 12000>}, {pipeline_mode = #tpu.pipeline_mode<synchronous>, transform_indices = @transform_8, window_bounds = array<i64: 3, 1, 12000>}, {pipeline_mode = #tpu.pipeline_mode<synchronous>, transform_indices = @transform_9, window_bounds = array<i64: 3, 1, 12000>}, {transform_indices = @transform_10, window_bounds = array<i64: 3, 8>}]} {
    %eq3A = arith.constant 0 : i32
    %eq3A_0 = arith.cmpi eq, %arg0, %eq3A : i32
    %convert_element_type3A = arith.extui %eq3A_0 : i1 to i32
    %cond3A = arith.constant 0 : i32
    %cond3A_1 = arith.cmpi ne, %convert_element_type3A, %cond3A : i32
    scf.if %cond3A_1 {
      %swap3A_127 = arith.constant 0.000000e+00 : f32
      %swap3A_128 = arith.constant 0 : index
      %swap3A_129 = arith.constant 3 : index
      %swap3A_130 = memref.load %arg11[%swap3A_128, %swap3A_129] : memref<3x8xf32, #tpu.memory_space<smem>>
      memref.store %swap3A_127, %arg11[%swap3A_128, %swap3A_129] : memref<3x8xf32, #tpu.memory_space<smem>>
      %swap3A_131 = arith.constant 0.000000e+00 : f32
      %swap3A_132 = arith.constant 0 : index
      %swap3A_133 = arith.constant 4 : index
      %swap3A_134 = memref.load %arg11[%swap3A_132, %swap3A_133] : memref<3x8xf32, #tpu.memory_space<smem>>
      memref.store %swap3A_131, %arg11[%swap3A_132, %swap3A_133] : memref<3x8xf32, #tpu.memory_space<smem>>
      %swap3A_135 = arith.constant 0.000000e+00 : f32
      %swap3A_136 = arith.constant 1 : index
      %swap3A_137 = arith.constant 3 : index
      %swap3A_138 = memref.load %arg11[%swap3A_136, %swap3A_137] : memref<3x8xf32, #tpu.memory_space<smem>>
      memref.store %swap3A_135, %arg11[%swap3A_136, %swap3A_137] : memref<3x8xf32, #tpu.memory_space<smem>>
      %swap3A_139 = arith.constant 0.000000e+00 : f32
      %swap3A_140 = arith.constant 1 : index
      %swap3A_141 = arith.constant 4 : index
      %swap3A_142 = memref.load %arg11[%swap3A_140, %swap3A_141] : memref<3x8xf32, #tpu.memory_space<smem>>
      memref.store %swap3A_139, %arg11[%swap3A_140, %swap3A_141] : memref<3x8xf32, #tpu.memory_space<smem>>
      %swap3A_143 = arith.constant 0.000000e+00 : f32
      %swap3A_144 = arith.constant 2 : index
      %swap3A_145 = arith.constant 3 : index
      %swap3A_146 = memref.load %arg11[%swap3A_144, %swap3A_145] : memref<3x8xf32, #tpu.memory_space<smem>>
      memref.store %swap3A_143, %arg11[%swap3A_144, %swap3A_145] : memref<3x8xf32, #tpu.memory_space<smem>>
      %swap3A_147 = arith.constant 0.000000e+00 : f32
      %swap3A_148 = arith.constant 2 : index
      %swap3A_149 = arith.constant 4 : index
      %swap3A_150 = memref.load %arg11[%swap3A_148, %swap3A_149] : memref<3x8xf32, #tpu.memory_space<smem>>
      memref.store %swap3A_147, %arg11[%swap3A_148, %swap3A_149] : memref<3x8xf32, #tpu.memory_space<smem>>
      %get3A_151 = arith.constant 0 : index
      %get3A_152 = arith.constant 0 : index
      %get3A_153 = arith.constant 0 : index
      %get3A_154 = vector.load %arg7[%get3A_151, %get3A_152, %get3A_153] : memref<3x12x12000xf32, #tpu.memory_space<vmem>>, vector<1x12x12000xf32>
      %get3A_155 = vector.shape_cast %get3A_154 : vector<1x12x12000xf32> to vector<12x12000xf32>
      %get3A_156 = arith.constant 0 : index
      %get3A_157 = arith.constant 0 : index
      %get3A_158 = arith.constant 0 : index
      %get3A_159 = vector.load %arg8[%get3A_156, %get3A_157, %get3A_158] : memref<3x4x12000xf32, #tpu.memory_space<vmem>>, vector<1x4x12000xf32>
      %get3A_160 = vector.shape_cast %get3A_159 : vector<1x4x12000xf32> to vector<4x12000xf32>
      %get3A_161 = arith.constant 0 : index
      %get3A_162 = arith.constant 0 : index
      %get3A_163 = arith.constant 0 : index
      %get3A_164 = vector.load %arg9[%get3A_161, %get3A_162, %get3A_163] : memref<3x1x12000xf32, #tpu.memory_space<vmem>>, vector<1x1x12000xf32>
      %get3A_165 = vector.shape_cast %get3A_164 : vector<1x1x12000xf32> to vector<1x12000xf32>
      %get3A_166 = arith.constant 0 : index
      %get3A_167 = arith.constant 0 : index
      %get3A_168 = arith.constant 0 : index
      %get3A_169 = vector.load %arg10[%get3A_166, %get3A_167, %get3A_168] : memref<3x1x12000xf32, #tpu.memory_space<vmem>>, vector<1x1x12000xf32>
      %get3A_170 = vector.shape_cast %get3A_169 : vector<1x1x12000xf32> to vector<1x12000xf32>
      %slice3A = vector.extract_strided_slice %get3A_155 {offsets = [0, 0], sizes = [1, 12000], strides = [1, 1]} : vector<12x12000xf32> to vector<1x12000xf32>
      %slice3A_171 = vector.extract_strided_slice %get3A_155 {offsets = [1, 0], sizes = [1, 12000], strides = [1, 1]} : vector<12x12000xf32> to vector<1x12000xf32>
      %slice3A_172 = vector.extract_strided_slice %get3A_155 {offsets = [2, 0], sizes = [1, 12000], strides = [1, 1]} : vector<12x12000xf32> to vector<1x12000xf32>
      %slice3A_173 = vector.extract_strided_slice %get3A_155 {offsets = [3, 0], sizes = [1, 12000], strides = [1, 1]} : vector<12x12000xf32> to vector<1x12000xf32>
      %slice3A_174 = vector.extract_strided_slice %get3A_160 {offsets = [0, 0], sizes = [1, 12000], strides = [1, 1]} : vector<4x12000xf32> to vector<1x12000xf32>
      %slice3A_175 = vector.extract_strided_slice %get3A_160 {offsets = [1, 0], sizes = [1, 12000], strides = [1, 1]} : vector<4x12000xf32> to vector<1x12000xf32>
      %slice3A_176 = vector.extract_strided_slice %get3A_160 {offsets = [2, 0], sizes = [1, 12000], strides = [1, 1]} : vector<4x12000xf32> to vector<1x12000xf32>
      %slice3A_177 = vector.extract_strided_slice %get3A_160 {offsets = [3, 0], sizes = [1, 12000], strides = [1, 1]} : vector<4x12000xf32> to vector<1x12000xf32>
      %mul3A_178 = arith.constant 5.000000e-01 : f32
      %mul3A_179 = vector.broadcast %mul3A_178 : f32 to vector<1x12000xf32>
      %mul3A_180 = arith.mulf %slice3A_172, %mul3A_179 : vector<1x12000xf32>
      %sub3A = arith.subf %slice3A, %mul3A_180 : vector<1x12000xf32>
      %mul3A_181 = arith.constant 5.000000e-01 : f32
      %mul3A_182 = vector.broadcast %mul3A_181 : f32 to vector<1x12000xf32>
      %mul3A_183 = arith.mulf %slice3A_172, %mul3A_182 : vector<1x12000xf32>
      %add3A_184 = arith.addf %slice3A, %mul3A_183 : vector<1x12000xf32>
      %mul3A_185 = arith.constant 5.000000e-01 : f32
      %mul3A_186 = vector.broadcast %mul3A_185 : f32 to vector<1x12000xf32>
      %mul3A_187 = arith.mulf %slice3A_173, %mul3A_186 : vector<1x12000xf32>
      %sub3A_188 = arith.subf %slice3A_171, %mul3A_187 : vector<1x12000xf32>
      %mul3A_189 = arith.constant 5.000000e-01 : f32
      %mul3A_190 = vector.broadcast %mul3A_189 : f32 to vector<1x12000xf32>
      %mul3A_191 = arith.mulf %slice3A_173, %mul3A_190 : vector<1x12000xf32>
      %add3A_192 = arith.addf %slice3A_171, %mul3A_191 : vector<1x12000xf32>
      %mul3A_193 = arith.constant 5.000000e-01 : f32
      %mul3A_194 = vector.broadcast %mul3A_193 : f32 to vector<1x12000xf32>
      %mul3A_195 = arith.mulf %slice3A_176, %mul3A_194 : vector<1x12000xf32>
      %sub3A_196 = arith.subf %slice3A_174, %mul3A_195 : vector<1x12000xf32>
      %mul3A_197 = arith.constant 5.000000e-01 : f32
      %mul3A_198 = vector.broadcast %mul3A_197 : f32 to vector<1x12000xf32>
      %mul3A_199 = arith.mulf %slice3A_176, %mul3A_198 : vector<1x12000xf32>
      %add3A_200 = arith.addf %slice3A_174, %mul3A_199 : vector<1x12000xf32>
      %mul3A_201 = arith.constant 5.000000e-01 : f32
      %mul3A_202 = vector.broadcast %mul3A_201 : f32 to vector<1x12000xf32>
      %mul3A_203 = arith.mulf %slice3A_177, %mul3A_202 : vector<1x12000xf32>
      %sub3A_204 = arith.subf %slice3A_175, %mul3A_203 : vector<1x12000xf32>
      %mul3A_205 = arith.constant 5.000000e-01 : f32
      %mul3A_206 = vector.broadcast %mul3A_205 : f32 to vector<1x12000xf32>
      %mul3A_207 = arith.mulf %slice3A_177, %mul3A_206 : vector<1x12000xf32>
      %add3A_208 = arith.addf %slice3A_175, %mul3A_207 : vector<1x12000xf32>
      %min3A = arith.minimumf %add3A_184, %add3A_200 : vector<1x12000xf32>
      %max3A_209 = arith.maximumf %sub3A, %sub3A_196 : vector<1x12000xf32>
      %sub3A_210 = arith.subf %min3A, %max3A_209 : vector<1x12000xf32>
      %max3A_211 = arith.constant 0.000000e+00 : f32
      %max3A_212 = vector.broadcast %max3A_211 : f32 to vector<1x12000xf32>
      %max3A_213 = arith.maximumf %sub3A_210, %max3A_212 : vector<1x12000xf32>
      %min3A_214 = arith.minimumf %add3A_192, %add3A_208 : vector<1x12000xf32>
      %max3A_215 = arith.maximumf %sub3A_188, %sub3A_204 : vector<1x12000xf32>
      %sub3A_216 = arith.subf %min3A_214, %max3A_215 : vector<1x12000xf32>
      %max3A_217 = arith.constant 0.000000e+00 : f32
      %max3A_218 = vector.broadcast %max3A_217 : f32 to vector<1x12000xf32>
      %max3A_219 = arith.maximumf %sub3A_216, %max3A_218 : vector<1x12000xf32>
      %mul3A_220 = arith.mulf %max3A_213, %max3A_219 : vector<1x12000xf32>
      %sub3A_221 = arith.subf %add3A_184, %sub3A : vector<1x12000xf32>
      %sub3A_222 = arith.subf %add3A_192, %sub3A_188 : vector<1x12000xf32>
      %mul3A_223 = arith.mulf %sub3A_221, %sub3A_222 : vector<1x12000xf32>
      %sub3A_224 = arith.subf %add3A_200, %sub3A_196 : vector<1x12000xf32>
      %sub3A_225 = arith.subf %add3A_208, %sub3A_204 : vector<1x12000xf32>
      %mul3A_226 = arith.mulf %sub3A_224, %sub3A_225 : vector<1x12000xf32>
      %add3A_227 = arith.addf %mul3A_223, %mul3A_226 : vector<1x12000xf32>
      %sub3A_228 = arith.subf %add3A_227, %mul3A_220 : vector<1x12000xf32>
      %add3A_229 = arith.constant 1.000000e-07 : f32
      %add3A_230 = vector.broadcast %add3A_229 : f32 to vector<1x12000xf32>
      %add3A_231 = arith.addf %sub3A_228, %add3A_230 : vector<1x12000xf32>
      %div3A = arith.divf %mul3A_220, %add3A_231 : vector<1x12000xf32>
      %sub3A_232 = arith.constant 1.000000e+00 : f32
      %sub3A_233 = vector.broadcast %sub3A_232 : f32 to vector<1x12000xf32>
      %sub3A_234 = arith.subf %sub3A_233, %div3A : vector<1x12000xf32>
      %mul3A_235 = arith.mulf %get3A_170, %sub3A_234 : vector<1x12000xf32>
      %reduce_sum3A_236 = vector.shape_cast %mul3A_235 : vector<1x12000xf32> to vector<1x1x12000xf32>
      %reduce_sum3A_237 = arith.constant dense<0.000000e+00> : vector<1xf32>
      %reduce_sum3A_238 = vector.multi_reduction <add>, %reduce_sum3A_236, %reduce_sum3A_237 [1, 2] : vector<1x1x12000xf32> to vector<1xf32>
      %reduce_sum3A_239 = vector.shape_cast %reduce_sum3A_238 : vector<1xf32> to vector<1x1x1xf32>
      %reduce_sum3A_240 = vector.extract %reduce_sum3A_239[0, 0, 0] : f32 from vector<1x1x1xf32>
      %slice3A_241 = vector.extract_strided_slice %get3A_155 {offsets = [5, 0], sizes = [7, 12000], strides = [1, 1]} : vector<12x12000xf32> to vector<7x12000xf32>
      %iota3A = tpu.iota {dimensions = array<i32: 0>} : vector<7x12000xi32>
      %convert_element_type3A_242 = arith.sitofp %iota3A : vector<7x12000xi32> to vector<7x12000xf32>
      %eq3A_243 = vector.broadcast %get3A_165 : vector<1x12000xf32> to vector<7x12000xf32>
      %eq3A_244 = arith.cmpf oeq, %convert_element_type3A_242, %eq3A_243 : vector<7x12000xf32>
      %convert_element_type3A_245 = arith.extui %eq3A_244 : vector<7x12000xi1> to vector<7x12000xi32>
      %convert_element_type3A_246 = arith.sitofp %convert_element_type3A_245 : vector<7x12000xi32> to vector<7x12000xf32>
      %max3A_247 = arith.constant 0.000000e+00 : f32
      %max3A_248 = vector.broadcast %max3A_247 : f32 to vector<7x12000xf32>
      %max3A_249 = arith.maximumf %slice3A_241, %max3A_248 : vector<7x12000xf32>
      %mul3A_250 = arith.mulf %slice3A_241, %convert_element_type3A_246 : vector<7x12000xf32>
      %sub3A_251 = arith.subf %max3A_249, %mul3A_250 : vector<7x12000xf32>
      %abs3A_252 = math.absf %slice3A_241 : vector<7x12000xf32>
      %neg3A_253 = arith.constant 0.000000e+00 : f32
      %neg3A_254 = vector.broadcast %neg3A_253 : f32 to vector<7x12000xf32>
      %neg3A_255 = arith.subf %neg3A_254, %abs3A_252 : vector<7x12000xf32>
      %exp3A_256 = math.exp %neg3A_255 : vector<7x12000xf32>
      %log1p3A_257 = math.log1p %exp3A_256 : vector<7x12000xf32>
      %add3A_258 = arith.addf %sub3A_251, %log1p3A_257 : vector<7x12000xf32>
      %mul3A_259 = vector.broadcast %get3A_170 : vector<1x12000xf32> to vector<7x12000xf32>
      %mul3A_260 = arith.mulf %mul3A_259, %add3A_258 : vector<7x12000xf32>
      %reduce_sum3A_261 = vector.shape_cast %mul3A_260 : vector<7x12000xf32> to vector<1x7x12000xf32>
      %reduce_sum3A_262 = arith.constant dense<0.000000e+00> : vector<1xf32>
      %reduce_sum3A_263 = vector.multi_reduction <add>, %reduce_sum3A_261, %reduce_sum3A_262 [1, 2] : vector<1x7x12000xf32> to vector<1xf32>
      %reduce_sum3A_264 = vector.shape_cast %reduce_sum3A_263 : vector<1xf32> to vector<1x1x1xf32>
      %reduce_sum3A_265 = vector.extract %reduce_sum3A_264[0, 0, 0] : f32 from vector<1x1x1xf32>
      %reduce_sum3A_266 = vector.shape_cast %get3A_170 : vector<1x12000xf32> to vector<1x1x12000xf32>
      %reduce_sum3A_267 = arith.constant dense<0.000000e+00> : vector<1xf32>
      %reduce_sum3A_268 = vector.multi_reduction <add>, %reduce_sum3A_266, %reduce_sum3A_267 [1, 2] : vector<1x1x12000xf32> to vector<1xf32>
      %reduce_sum3A_269 = vector.shape_cast %reduce_sum3A_268 : vector<1xf32> to vector<1x1x1xf32>
      %reduce_sum3A_270 = vector.extract %reduce_sum3A_269[0, 0, 0] : f32 from vector<1x1x1xf32>
      %swap3A_271 = arith.constant 0 : index
      %swap3A_272 = arith.constant 0 : index
      %swap3A_273 = memref.load %arg11[%swap3A_271, %swap3A_272] : memref<3x8xf32, #tpu.memory_space<smem>>
      memref.store %reduce_sum3A_240, %arg11[%swap3A_271, %swap3A_272] : memref<3x8xf32, #tpu.memory_space<smem>>
      %swap3A_274 = arith.constant 0 : index
      %swap3A_275 = arith.constant 1 : index
      %swap3A_276 = memref.load %arg11[%swap3A_274, %swap3A_275] : memref<3x8xf32, #tpu.memory_space<smem>>
      memref.store %reduce_sum3A_265, %arg11[%swap3A_274, %swap3A_275] : memref<3x8xf32, #tpu.memory_space<smem>>
      %swap3A_277 = arith.constant 0 : index
      %swap3A_278 = arith.constant 2 : index
      %swap3A_279 = memref.load %arg11[%swap3A_277, %swap3A_278] : memref<3x8xf32, #tpu.memory_space<smem>>
      memref.store %reduce_sum3A_270, %arg11[%swap3A_277, %swap3A_278] : memref<3x8xf32, #tpu.memory_space<smem>>
      %get3A_280 = arith.constant 1 : index
      %get3A_281 = arith.constant 0 : index
      %get3A_282 = arith.constant 0 : index
      %get3A_283 = vector.load %arg7[%get3A_280, %get3A_281, %get3A_282] : memref<3x12x12000xf32, #tpu.memory_space<vmem>>, vector<1x12x12000xf32>
      %get3A_284 = vector.shape_cast %get3A_283 : vector<1x12x12000xf32> to vector<12x12000xf32>
      %get3A_285 = arith.constant 1 : index
      %get3A_286 = arith.constant 0 : index
      %get3A_287 = arith.constant 0 : index
      %get3A_288 = vector.load %arg8[%get3A_285, %get3A_286, %get3A_287] : memref<3x4x12000xf32, #tpu.memory_space<vmem>>, vector<1x4x12000xf32>
      %get3A_289 = vector.shape_cast %get3A_288 : vector<1x4x12000xf32> to vector<4x12000xf32>
      %get3A_290 = arith.constant 1 : index
      %get3A_291 = arith.constant 0 : index
      %get3A_292 = arith.constant 0 : index
      %get3A_293 = vector.load %arg9[%get3A_290, %get3A_291, %get3A_292] : memref<3x1x12000xf32, #tpu.memory_space<vmem>>, vector<1x1x12000xf32>
      %get3A_294 = vector.shape_cast %get3A_293 : vector<1x1x12000xf32> to vector<1x12000xf32>
      %get3A_295 = arith.constant 1 : index
      %get3A_296 = arith.constant 0 : index
      %get3A_297 = arith.constant 0 : index
      %get3A_298 = vector.load %arg10[%get3A_295, %get3A_296, %get3A_297] : memref<3x1x12000xf32, #tpu.memory_space<vmem>>, vector<1x1x12000xf32>
      %get3A_299 = vector.shape_cast %get3A_298 : vector<1x1x12000xf32> to vector<1x12000xf32>
      %slice3A_300 = vector.extract_strided_slice %get3A_284 {offsets = [0, 0], sizes = [1, 12000], strides = [1, 1]} : vector<12x12000xf32> to vector<1x12000xf32>
      %slice3A_301 = vector.extract_strided_slice %get3A_284 {offsets = [1, 0], sizes = [1, 12000], strides = [1, 1]} : vector<12x12000xf32> to vector<1x12000xf32>
      %slice3A_302 = vector.extract_strided_slice %get3A_284 {offsets = [2, 0], sizes = [1, 12000], strides = [1, 1]} : vector<12x12000xf32> to vector<1x12000xf32>
      %slice3A_303 = vector.extract_strided_slice %get3A_284 {offsets = [3, 0], sizes = [1, 12000], strides = [1, 1]} : vector<12x12000xf32> to vector<1x12000xf32>
      %slice3A_304 = vector.extract_strided_slice %get3A_289 {offsets = [0, 0], sizes = [1, 12000], strides = [1, 1]} : vector<4x12000xf32> to vector<1x12000xf32>
      %slice3A_305 = vector.extract_strided_slice %get3A_289 {offsets = [1, 0], sizes = [1, 12000], strides = [1, 1]} : vector<4x12000xf32> to vector<1x12000xf32>
      %slice3A_306 = vector.extract_strided_slice %get3A_289 {offsets = [2, 0], sizes = [1, 12000], strides = [1, 1]} : vector<4x12000xf32> to vector<1x12000xf32>
      %slice3A_307 = vector.extract_strided_slice %get3A_289 {offsets = [3, 0], sizes = [1, 12000], strides = [1, 1]} : vector<4x12000xf32> to vector<1x12000xf32>
      %mul3A_308 = arith.constant 5.000000e-01 : f32
      %mul3A_309 = vector.broadcast %mul3A_308 : f32 to vector<1x12000xf32>
      %mul3A_310 = arith.mulf %slice3A_302, %mul3A_309 : vector<1x12000xf32>
      %sub3A_311 = arith.subf %slice3A_300, %mul3A_310 : vector<1x12000xf32>
      %mul3A_312 = arith.constant 5.000000e-01 : f32
      %mul3A_313 = vector.broadcast %mul3A_312 : f32 to vector<1x12000xf32>
      %mul3A_314 = arith.mulf %slice3A_302, %mul3A_313 : vector<1x12000xf32>
      %add3A_315 = arith.addf %slice3A_300, %mul3A_314 : vector<1x12000xf32>
      %mul3A_316 = arith.constant 5.000000e-01 : f32
      %mul3A_317 = vector.broadcast %mul3A_316 : f32 to vector<1x12000xf32>
      %mul3A_318 = arith.mulf %slice3A_303, %mul3A_317 : vector<1x12000xf32>
      %sub3A_319 = arith.subf %slice3A_301, %mul3A_318 : vector<1x12000xf32>
      %mul3A_320 = arith.constant 5.000000e-01 : f32
      %mul3A_321 = vector.broadcast %mul3A_320 : f32 to vector<1x12000xf32>
      %mul3A_322 = arith.mulf %slice3A_303, %mul3A_321 : vector<1x12000xf32>
      %add3A_323 = arith.addf %slice3A_301, %mul3A_322 : vector<1x12000xf32>
      %mul3A_324 = arith.constant 5.000000e-01 : f32
      %mul3A_325 = vector.broadcast %mul3A_324 : f32 to vector<1x12000xf32>
      %mul3A_326 = arith.mulf %slice3A_306, %mul3A_325 : vector<1x12000xf32>
      %sub3A_327 = arith.subf %slice3A_304, %mul3A_326 : vector<1x12000xf32>
      %mul3A_328 = arith.constant 5.000000e-01 : f32
      %mul3A_329 = vector.broadcast %mul3A_328 : f32 to vector<1x12000xf32>
      %mul3A_330 = arith.mulf %slice3A_306, %mul3A_329 : vector<1x12000xf32>
      %add3A_331 = arith.addf %slice3A_304, %mul3A_330 : vector<1x12000xf32>
      %mul3A_332 = arith.constant 5.000000e-01 : f32
      %mul3A_333 = vector.broadcast %mul3A_332 : f32 to vector<1x12000xf32>
      %mul3A_334 = arith.mulf %slice3A_307, %mul3A_333 : vector<1x12000xf32>
      %sub3A_335 = arith.subf %slice3A_305, %mul3A_334 : vector<1x12000xf32>
      %mul3A_336 = arith.constant 5.000000e-01 : f32
      %mul3A_337 = vector.broadcast %mul3A_336 : f32 to vector<1x12000xf32>
      %mul3A_338 = arith.mulf %slice3A_307, %mul3A_337 : vector<1x12000xf32>
      %add3A_339 = arith.addf %slice3A_305, %mul3A_338 : vector<1x12000xf32>
      %min3A_340 = arith.minimumf %add3A_315, %add3A_331 : vector<1x12000xf32>
      %max3A_341 = arith.maximumf %sub3A_311, %sub3A_327 : vector<1x12000xf32>
      %sub3A_342 = arith.subf %min3A_340, %max3A_341 : vector<1x12000xf32>
      %max3A_343 = arith.constant 0.000000e+00 : f32
      %max3A_344 = vector.broadcast %max3A_343 : f32 to vector<1x12000xf32>
      %max3A_345 = arith.maximumf %sub3A_342, %max3A_344 : vector<1x12000xf32>
      %min3A_346 = arith.minimumf %add3A_323, %add3A_339 : vector<1x12000xf32>
      %max3A_347 = arith.maximumf %sub3A_319, %sub3A_335 : vector<1x12000xf32>
      %sub3A_348 = arith.subf %min3A_346, %max3A_347 : vector<1x12000xf32>
      %max3A_349 = arith.constant 0.000000e+00 : f32
      %max3A_350 = vector.broadcast %max3A_349 : f32 to vector<1x12000xf32>
      %max3A_351 = arith.maximumf %sub3A_348, %max3A_350 : vector<1x12000xf32>
      %mul3A_352 = arith.mulf %max3A_345, %max3A_351 : vector<1x12000xf32>
      %sub3A_353 = arith.subf %add3A_315, %sub3A_311 : vector<1x12000xf32>
      %sub3A_354 = arith.subf %add3A_323, %sub3A_319 : vector<1x12000xf32>
      %mul3A_355 = arith.mulf %sub3A_353, %sub3A_354 : vector<1x12000xf32>
      %sub3A_356 = arith.subf %add3A_331, %sub3A_327 : vector<1x12000xf32>
      %sub3A_357 = arith.subf %add3A_339, %sub3A_335 : vector<1x12000xf32>
      %mul3A_358 = arith.mulf %sub3A_356, %sub3A_357 : vector<1x12000xf32>
      %add3A_359 = arith.addf %mul3A_355, %mul3A_358 : vector<1x12000xf32>
      %sub3A_360 = arith.subf %add3A_359, %mul3A_352 : vector<1x12000xf32>
      %add3A_361 = arith.constant 1.000000e-07 : f32
      %add3A_362 = vector.broadcast %add3A_361 : f32 to vector<1x12000xf32>
      %add3A_363 = arith.addf %sub3A_360, %add3A_362 : vector<1x12000xf32>
      %div3A_364 = arith.divf %mul3A_352, %add3A_363 : vector<1x12000xf32>
      %sub3A_365 = arith.constant 1.000000e+00 : f32
      %sub3A_366 = vector.broadcast %sub3A_365 : f32 to vector<1x12000xf32>
      %sub3A_367 = arith.subf %sub3A_366, %div3A_364 : vector<1x12000xf32>
      %mul3A_368 = arith.mulf %get3A_299, %sub3A_367 : vector<1x12000xf32>
      %reduce_sum3A_369 = vector.shape_cast %mul3A_368 : vector<1x12000xf32> to vector<1x1x12000xf32>
      %reduce_sum3A_370 = arith.constant dense<0.000000e+00> : vector<1xf32>
      %reduce_sum3A_371 = vector.multi_reduction <add>, %reduce_sum3A_369, %reduce_sum3A_370 [1, 2] : vector<1x1x12000xf32> to vector<1xf32>
      %reduce_sum3A_372 = vector.shape_cast %reduce_sum3A_371 : vector<1xf32> to vector<1x1x1xf32>
      %reduce_sum3A_373 = vector.extract %reduce_sum3A_372[0, 0, 0] : f32 from vector<1x1x1xf32>
      %slice3A_374 = vector.extract_strided_slice %get3A_284 {offsets = [5, 0], sizes = [7, 12000], strides = [1, 1]} : vector<12x12000xf32> to vector<7x12000xf32>
      %iota3A_375 = tpu.iota {dimensions = array<i32: 0>} : vector<7x12000xi32>
      %convert_element_type3A_376 = arith.sitofp %iota3A_375 : vector<7x12000xi32> to vector<7x12000xf32>
      %eq3A_377 = vector.broadcast %get3A_294 : vector<1x12000xf32> to vector<7x12000xf32>
      %eq3A_378 = arith.cmpf oeq, %convert_element_type3A_376, %eq3A_377 : vector<7x12000xf32>
      %convert_element_type3A_379 = arith.extui %eq3A_378 : vector<7x12000xi1> to vector<7x12000xi32>
      %convert_element_type3A_380 = arith.sitofp %convert_element_type3A_379 : vector<7x12000xi32> to vector<7x12000xf32>
      %max3A_381 = arith.constant 0.000000e+00 : f32
      %max3A_382 = vector.broadcast %max3A_381 : f32 to vector<7x12000xf32>
      %max3A_383 = arith.maximumf %slice3A_374, %max3A_382 : vector<7x12000xf32>
      %mul3A_384 = arith.mulf %slice3A_374, %convert_element_type3A_380 : vector<7x12000xf32>
      %sub3A_385 = arith.subf %max3A_383, %mul3A_384 : vector<7x12000xf32>
      %abs3A_386 = math.absf %slice3A_374 : vector<7x12000xf32>
      %neg3A_387 = arith.constant 0.000000e+00 : f32
      %neg3A_388 = vector.broadcast %neg3A_387 : f32 to vector<7x12000xf32>
      %neg3A_389 = arith.subf %neg3A_388, %abs3A_386 : vector<7x12000xf32>
      %exp3A_390 = math.exp %neg3A_389 : vector<7x12000xf32>
      %log1p3A_391 = math.log1p %exp3A_390 : vector<7x12000xf32>
      %add3A_392 = arith.addf %sub3A_385, %log1p3A_391 : vector<7x12000xf32>
      %mul3A_393 = vector.broadcast %get3A_299 : vector<1x12000xf32> to vector<7x12000xf32>
      %mul3A_394 = arith.mulf %mul3A_393, %add3A_392 : vector<7x12000xf32>
      %reduce_sum3A_395 = vector.shape_cast %mul3A_394 : vector<7x12000xf32> to vector<1x7x12000xf32>
      %reduce_sum3A_396 = arith.constant dense<0.000000e+00> : vector<1xf32>
      %reduce_sum3A_397 = vector.multi_reduction <add>, %reduce_sum3A_395, %reduce_sum3A_396 [1, 2] : vector<1x7x12000xf32> to vector<1xf32>
      %reduce_sum3A_398 = vector.shape_cast %reduce_sum3A_397 : vector<1xf32> to vector<1x1x1xf32>
      %reduce_sum3A_399 = vector.extract %reduce_sum3A_398[0, 0, 0] : f32 from vector<1x1x1xf32>
      %reduce_sum3A_400 = vector.shape_cast %get3A_299 : vector<1x12000xf32> to vector<1x1x12000xf32>
      %reduce_sum3A_401 = arith.constant dense<0.000000e+00> : vector<1xf32>
      %reduce_sum3A_402 = vector.multi_reduction <add>, %reduce_sum3A_400, %reduce_sum3A_401 [1, 2] : vector<1x1x12000xf32> to vector<1xf32>
      %reduce_sum3A_403 = vector.shape_cast %reduce_sum3A_402 : vector<1xf32> to vector<1x1x1xf32>
      %reduce_sum3A_404 = vector.extract %reduce_sum3A_403[0, 0, 0] : f32 from vector<1x1x1xf32>
      %swap3A_405 = arith.constant 1 : index
      %swap3A_406 = arith.constant 0 : index
      %swap3A_407 = memref.load %arg11[%swap3A_405, %swap3A_406] : memref<3x8xf32, #tpu.memory_space<smem>>
      memref.store %reduce_sum3A_373, %arg11[%swap3A_405, %swap3A_406] : memref<3x8xf32, #tpu.memory_space<smem>>
      %swap3A_408 = arith.constant 1 : index
      %swap3A_409 = arith.constant 1 : index
      %swap3A_410 = memref.load %arg11[%swap3A_408, %swap3A_409] : memref<3x8xf32, #tpu.memory_space<smem>>
      memref.store %reduce_sum3A_399, %arg11[%swap3A_408, %swap3A_409] : memref<3x8xf32, #tpu.memory_space<smem>>
      %swap3A_411 = arith.constant 1 : index
      %swap3A_412 = arith.constant 2 : index
      %swap3A_413 = memref.load %arg11[%swap3A_411, %swap3A_412] : memref<3x8xf32, #tpu.memory_space<smem>>
      memref.store %reduce_sum3A_404, %arg11[%swap3A_411, %swap3A_412] : memref<3x8xf32, #tpu.memory_space<smem>>
      %get3A_414 = arith.constant 2 : index
      %get3A_415 = arith.constant 0 : index
      %get3A_416 = arith.constant 0 : index
      %get3A_417 = vector.load %arg7[%get3A_414, %get3A_415, %get3A_416] : memref<3x12x12000xf32, #tpu.memory_space<vmem>>, vector<1x12x12000xf32>
      %get3A_418 = vector.shape_cast %get3A_417 : vector<1x12x12000xf32> to vector<12x12000xf32>
      %get3A_419 = arith.constant 2 : index
      %get3A_420 = arith.constant 0 : index
      %get3A_421 = arith.constant 0 : index
      %get3A_422 = vector.load %arg8[%get3A_419, %get3A_420, %get3A_421] : memref<3x4x12000xf32, #tpu.memory_space<vmem>>, vector<1x4x12000xf32>
      %get3A_423 = vector.shape_cast %get3A_422 : vector<1x4x12000xf32> to vector<4x12000xf32>
      %get3A_424 = arith.constant 2 : index
      %get3A_425 = arith.constant 0 : index
      %get3A_426 = arith.constant 0 : index
      %get3A_427 = vector.load %arg9[%get3A_424, %get3A_425, %get3A_426] : memref<3x1x12000xf32, #tpu.memory_space<vmem>>, vector<1x1x12000xf32>
      %get3A_428 = vector.shape_cast %get3A_427 : vector<1x1x12000xf32> to vector<1x12000xf32>
      %get3A_429 = arith.constant 2 : index
      %get3A_430 = arith.constant 0 : index
      %get3A_431 = arith.constant 0 : index
      %get3A_432 = vector.load %arg10[%get3A_429, %get3A_430, %get3A_431] : memref<3x1x12000xf32, #tpu.memory_space<vmem>>, vector<1x1x12000xf32>
      %get3A_433 = vector.shape_cast %get3A_432 : vector<1x1x12000xf32> to vector<1x12000xf32>
      %slice3A_434 = vector.extract_strided_slice %get3A_418 {offsets = [0, 0], sizes = [1, 12000], strides = [1, 1]} : vector<12x12000xf32> to vector<1x12000xf32>
      %slice3A_435 = vector.extract_strided_slice %get3A_418 {offsets = [1, 0], sizes = [1, 12000], strides = [1, 1]} : vector<12x12000xf32> to vector<1x12000xf32>
      %slice3A_436 = vector.extract_strided_slice %get3A_418 {offsets = [2, 0], sizes = [1, 12000], strides = [1, 1]} : vector<12x12000xf32> to vector<1x12000xf32>
      %slice3A_437 = vector.extract_strided_slice %get3A_418 {offsets = [3, 0], sizes = [1, 12000], strides = [1, 1]} : vector<12x12000xf32> to vector<1x12000xf32>
      %slice3A_438 = vector.extract_strided_slice %get3A_423 {offsets = [0, 0], sizes = [1, 12000], strides = [1, 1]} : vector<4x12000xf32> to vector<1x12000xf32>
      %slice3A_439 = vector.extract_strided_slice %get3A_423 {offsets = [1, 0], sizes = [1, 12000], strides = [1, 1]} : vector<4x12000xf32> to vector<1x12000xf32>
      %slice3A_440 = vector.extract_strided_slice %get3A_423 {offsets = [2, 0], sizes = [1, 12000], strides = [1, 1]} : vector<4x12000xf32> to vector<1x12000xf32>
      %slice3A_441 = vector.extract_strided_slice %get3A_423 {offsets = [3, 0], sizes = [1, 12000], strides = [1, 1]} : vector<4x12000xf32> to vector<1x12000xf32>
      %mul3A_442 = arith.constant 5.000000e-01 : f32
      %mul3A_443 = vector.broadcast %mul3A_442 : f32 to vector<1x12000xf32>
      %mul3A_444 = arith.mulf %slice3A_436, %mul3A_443 : vector<1x12000xf32>
      %sub3A_445 = arith.subf %slice3A_434, %mul3A_444 : vector<1x12000xf32>
      %mul3A_446 = arith.constant 5.000000e-01 : f32
      %mul3A_447 = vector.broadcast %mul3A_446 : f32 to vector<1x12000xf32>
      %mul3A_448 = arith.mulf %slice3A_436, %mul3A_447 : vector<1x12000xf32>
      %add3A_449 = arith.addf %slice3A_434, %mul3A_448 : vector<1x12000xf32>
      %mul3A_450 = arith.constant 5.000000e-01 : f32
      %mul3A_451 = vector.broadcast %mul3A_450 : f32 to vector<1x12000xf32>
      %mul3A_452 = arith.mulf %slice3A_437, %mul3A_451 : vector<1x12000xf32>
      %sub3A_453 = arith.subf %slice3A_435, %mul3A_452 : vector<1x12000xf32>
      %mul3A_454 = arith.constant 5.000000e-01 : f32
      %mul3A_455 = vector.broadcast %mul3A_454 : f32 to vector<1x12000xf32>
      %mul3A_456 = arith.mulf %slice3A_437, %mul3A_455 : vector<1x12000xf32>
      %add3A_457 = arith.addf %slice3A_435, %mul3A_456 : vector<1x12000xf32>
      %mul3A_458 = arith.constant 5.000000e-01 : f32
      %mul3A_459 = vector.broadcast %mul3A_458 : f32 to vector<1x12000xf32>
      %mul3A_460 = arith.mulf %slice3A_440, %mul3A_459 : vector<1x12000xf32>
      %sub3A_461 = arith.subf %slice3A_438, %mul3A_460 : vector<1x12000xf32>
      %mul3A_462 = arith.constant 5.000000e-01 : f32
      %mul3A_463 = vector.broadcast %mul3A_462 : f32 to vector<1x12000xf32>
      %mul3A_464 = arith.mulf %slice3A_440, %mul3A_463 : vector<1x12000xf32>
      %add3A_465 = arith.addf %slice3A_438, %mul3A_464 : vector<1x12000xf32>
      %mul3A_466 = arith.constant 5.000000e-01 : f32
      %mul3A_467 = vector.broadcast %mul3A_466 : f32 to vector<1x12000xf32>
      %mul3A_468 = arith.mulf %slice3A_441, %mul3A_467 : vector<1x12000xf32>
      %sub3A_469 = arith.subf %slice3A_439, %mul3A_468 : vector<1x12000xf32>
      %mul3A_470 = arith.constant 5.000000e-01 : f32
      %mul3A_471 = vector.broadcast %mul3A_470 : f32 to vector<1x12000xf32>
      %mul3A_472 = arith.mulf %slice3A_441, %mul3A_471 : vector<1x12000xf32>
      %add3A_473 = arith.addf %slice3A_439, %mul3A_472 : vector<1x12000xf32>
      %min3A_474 = arith.minimumf %add3A_449, %add3A_465 : vector<1x12000xf32>
      %max3A_475 = arith.maximumf %sub3A_445, %sub3A_461 : vector<1x12000xf32>
      %sub3A_476 = arith.subf %min3A_474, %max3A_475 : vector<1x12000xf32>
      %max3A_477 = arith.constant 0.000000e+00 : f32
      %max3A_478 = vector.broadcast %max3A_477 : f32 to vector<1x12000xf32>
      %max3A_479 = arith.maximumf %sub3A_476, %max3A_478 : vector<1x12000xf32>
      %min3A_480 = arith.minimumf %add3A_457, %add3A_473 : vector<1x12000xf32>
      %max3A_481 = arith.maximumf %sub3A_453, %sub3A_469 : vector<1x12000xf32>
      %sub3A_482 = arith.subf %min3A_480, %max3A_481 : vector<1x12000xf32>
      %max3A_483 = arith.constant 0.000000e+00 : f32
      %max3A_484 = vector.broadcast %max3A_483 : f32 to vector<1x12000xf32>
      %max3A_485 = arith.maximumf %sub3A_482, %max3A_484 : vector<1x12000xf32>
      %mul3A_486 = arith.mulf %max3A_479, %max3A_485 : vector<1x12000xf32>
      %sub3A_487 = arith.subf %add3A_449, %sub3A_445 : vector<1x12000xf32>
      %sub3A_488 = arith.subf %add3A_457, %sub3A_453 : vector<1x12000xf32>
      %mul3A_489 = arith.mulf %sub3A_487, %sub3A_488 : vector<1x12000xf32>
      %sub3A_490 = arith.subf %add3A_465, %sub3A_461 : vector<1x12000xf32>
      %sub3A_491 = arith.subf %add3A_473, %sub3A_469 : vector<1x12000xf32>
      %mul3A_492 = arith.mulf %sub3A_490, %sub3A_491 : vector<1x12000xf32>
      %add3A_493 = arith.addf %mul3A_489, %mul3A_492 : vector<1x12000xf32>
      %sub3A_494 = arith.subf %add3A_493, %mul3A_486 : vector<1x12000xf32>
      %add3A_495 = arith.constant 1.000000e-07 : f32
      %add3A_496 = vector.broadcast %add3A_495 : f32 to vector<1x12000xf32>
      %add3A_497 = arith.addf %sub3A_494, %add3A_496 : vector<1x12000xf32>
      %div3A_498 = arith.divf %mul3A_486, %add3A_497 : vector<1x12000xf32>
      %sub3A_499 = arith.constant 1.000000e+00 : f32
      %sub3A_500 = vector.broadcast %sub3A_499 : f32 to vector<1x12000xf32>
      %sub3A_501 = arith.subf %sub3A_500, %div3A_498 : vector<1x12000xf32>
      %mul3A_502 = arith.mulf %get3A_433, %sub3A_501 : vector<1x12000xf32>
      %reduce_sum3A_503 = vector.shape_cast %mul3A_502 : vector<1x12000xf32> to vector<1x1x12000xf32>
      %reduce_sum3A_504 = arith.constant dense<0.000000e+00> : vector<1xf32>
      %reduce_sum3A_505 = vector.multi_reduction <add>, %reduce_sum3A_503, %reduce_sum3A_504 [1, 2] : vector<1x1x12000xf32> to vector<1xf32>
      %reduce_sum3A_506 = vector.shape_cast %reduce_sum3A_505 : vector<1xf32> to vector<1x1x1xf32>
      %reduce_sum3A_507 = vector.extract %reduce_sum3A_506[0, 0, 0] : f32 from vector<1x1x1xf32>
      %slice3A_508 = vector.extract_strided_slice %get3A_418 {offsets = [5, 0], sizes = [7, 12000], strides = [1, 1]} : vector<12x12000xf32> to vector<7x12000xf32>
      %iota3A_509 = tpu.iota {dimensions = array<i32: 0>} : vector<7x12000xi32>
      %convert_element_type3A_510 = arith.sitofp %iota3A_509 : vector<7x12000xi32> to vector<7x12000xf32>
      %eq3A_511 = vector.broadcast %get3A_428 : vector<1x12000xf32> to vector<7x12000xf32>
      %eq3A_512 = arith.cmpf oeq, %convert_element_type3A_510, %eq3A_511 : vector<7x12000xf32>
      %convert_element_type3A_513 = arith.extui %eq3A_512 : vector<7x12000xi1> to vector<7x12000xi32>
      %convert_element_type3A_514 = arith.sitofp %convert_element_type3A_513 : vector<7x12000xi32> to vector<7x12000xf32>
      %max3A_515 = arith.constant 0.000000e+00 : f32
      %max3A_516 = vector.broadcast %max3A_515 : f32 to vector<7x12000xf32>
      %max3A_517 = arith.maximumf %slice3A_508, %max3A_516 : vector<7x12000xf32>
      %mul3A_518 = arith.mulf %slice3A_508, %convert_element_type3A_514 : vector<7x12000xf32>
      %sub3A_519 = arith.subf %max3A_517, %mul3A_518 : vector<7x12000xf32>
      %abs3A_520 = math.absf %slice3A_508 : vector<7x12000xf32>
      %neg3A_521 = arith.constant 0.000000e+00 : f32
      %neg3A_522 = vector.broadcast %neg3A_521 : f32 to vector<7x12000xf32>
      %neg3A_523 = arith.subf %neg3A_522, %abs3A_520 : vector<7x12000xf32>
      %exp3A_524 = math.exp %neg3A_523 : vector<7x12000xf32>
      %log1p3A_525 = math.log1p %exp3A_524 : vector<7x12000xf32>
      %add3A_526 = arith.addf %sub3A_519, %log1p3A_525 : vector<7x12000xf32>
      %mul3A_527 = vector.broadcast %get3A_433 : vector<1x12000xf32> to vector<7x12000xf32>
      %mul3A_528 = arith.mulf %mul3A_527, %add3A_526 : vector<7x12000xf32>
      %reduce_sum3A_529 = vector.shape_cast %mul3A_528 : vector<7x12000xf32> to vector<1x7x12000xf32>
      %reduce_sum3A_530 = arith.constant dense<0.000000e+00> : vector<1xf32>
      %reduce_sum3A_531 = vector.multi_reduction <add>, %reduce_sum3A_529, %reduce_sum3A_530 [1, 2] : vector<1x7x12000xf32> to vector<1xf32>
      %reduce_sum3A_532 = vector.shape_cast %reduce_sum3A_531 : vector<1xf32> to vector<1x1x1xf32>
      %reduce_sum3A_533 = vector.extract %reduce_sum3A_532[0, 0, 0] : f32 from vector<1x1x1xf32>
      %reduce_sum3A_534 = vector.shape_cast %get3A_433 : vector<1x12000xf32> to vector<1x1x12000xf32>
      %reduce_sum3A_535 = arith.constant dense<0.000000e+00> : vector<1xf32>
      %reduce_sum3A_536 = vector.multi_reduction <add>, %reduce_sum3A_534, %reduce_sum3A_535 [1, 2] : vector<1x1x12000xf32> to vector<1xf32>
      %reduce_sum3A_537 = vector.shape_cast %reduce_sum3A_536 : vector<1xf32> to vector<1x1x1xf32>
      %reduce_sum3A_538 = vector.extract %reduce_sum3A_537[0, 0, 0] : f32 from vector<1x1x1xf32>
      %swap3A_539 = arith.constant 2 : index
      %swap3A_540 = arith.constant 0 : index
      %swap3A_541 = memref.load %arg11[%swap3A_539, %swap3A_540] : memref<3x8xf32, #tpu.memory_space<smem>>
      memref.store %reduce_sum3A_507, %arg11[%swap3A_539, %swap3A_540] : memref<3x8xf32, #tpu.memory_space<smem>>
      %swap3A_542 = arith.constant 2 : index
      %swap3A_543 = arith.constant 1 : index
      %swap3A_544 = memref.load %arg11[%swap3A_542, %swap3A_543] : memref<3x8xf32, #tpu.memory_space<smem>>
      memref.store %reduce_sum3A_533, %arg11[%swap3A_542, %swap3A_543] : memref<3x8xf32, #tpu.memory_space<smem>>
      %swap3A_545 = arith.constant 2 : index
      %swap3A_546 = arith.constant 2 : index
      %swap3A_547 = memref.load %arg11[%swap3A_545, %swap3A_546] : memref<3x8xf32, #tpu.memory_space<smem>>
      memref.store %reduce_sum3A_538, %arg11[%swap3A_545, %swap3A_546] : memref<3x8xf32, #tpu.memory_space<smem>>
    } else {
    }
    %get3A = arith.constant 0 : index
    %get3A_2 = arith.constant 0 : index
    %get3A_3 = arith.constant 0 : index
    %get3A_4 = arith.constant 0 : index
    %get3A_5 = vector.load %arg1[%get3A, %get3A_2, %get3A_3, %get3A_4] : memref<32x1x80x80xf32, #tpu.memory_space<vmem>>, vector<32x1x80x80xf32>
    %get3A_6 = arith.constant 0 : index
    %get3A_7 = arith.constant 3 : index
    %get3A_8 = memref.load %arg11[%get3A_6, %get3A_7] : memref<3x8xf32, #tpu.memory_space<smem>>
    %max3A = arith.constant 0.000000e+00 : f32
    %max3A_9 = vector.broadcast %max3A : f32 to vector<32x1x80x80xf32>
    %max3A_10 = arith.maximumf %get3A_5, %max3A_9 : vector<32x1x80x80xf32>
    %abs3A = math.absf %get3A_5 : vector<32x1x80x80xf32>
    %neg3A = arith.constant 0.000000e+00 : f32
    %neg3A_11 = vector.broadcast %neg3A : f32 to vector<32x1x80x80xf32>
    %neg3A_12 = arith.subf %neg3A_11, %abs3A : vector<32x1x80x80xf32>
    %exp3A = math.exp %neg3A_12 : vector<32x1x80x80xf32>
    %log1p3A = math.log1p %exp3A : vector<32x1x80x80xf32>
    %add3A = arith.addf %max3A_10, %log1p3A : vector<32x1x80x80xf32>
    %reduce_sum3A = vector.shape_cast %add3A : vector<32x1x80x80xf32> to vector<1x32x1x80x80xf32>
    %reduce_sum3A_13 = arith.constant dense<0.000000e+00> : vector<1xf32>
    %reduce_sum3A_14 = vector.multi_reduction <add>, %reduce_sum3A, %reduce_sum3A_13 [1, 2, 3, 4] : vector<1x32x1x80x80xf32> to vector<1xf32>
    %reduce_sum3A_15 = vector.shape_cast %reduce_sum3A_14 : vector<1xf32> to vector<1x1x1x1x1xf32>
    %reduce_sum3A_16 = vector.extract %reduce_sum3A_15[0, 0, 0, 0, 0] : f32 from vector<1x1x1x1x1xf32>
    %add3A_17 = arith.addf %get3A_8, %reduce_sum3A_16 : f32
    %swap3A = arith.constant 0 : index
    %swap3A_18 = arith.constant 3 : index
    %swap3A_19 = memref.load %arg11[%swap3A, %swap3A_18] : memref<3x8xf32, #tpu.memory_space<smem>>
    memref.store %add3A_17, %arg11[%swap3A, %swap3A_18] : memref<3x8xf32, #tpu.memory_space<smem>>
    %get3A_20 = arith.constant 0 : index
    %get3A_21 = arith.constant 4 : index
    %get3A_22 = memref.load %arg11[%get3A_20, %get3A_21] : memref<3x8xf32, #tpu.memory_space<smem>>
    %get3A_23 = arith.constant 0 : index
    %get3A_24 = arith.constant 0 : index
    %get3A_25 = arith.constant 0 : index
    %get3A_26 = arith.constant 0 : index
    %get3A_27 = vector.load %arg4[%get3A_23, %get3A_24, %get3A_25, %get3A_26] : memref<32x1x80x80xf32, #tpu.memory_space<vmem>>, vector<32x1x80x80xf32>
    %mul3A = arith.mulf %get3A_27, %get3A_5 : vector<32x1x80x80xf32>
    %reduce_sum3A_28 = vector.shape_cast %mul3A : vector<32x1x80x80xf32> to vector<1x32x1x80x80xf32>
    %reduce_sum3A_29 = arith.constant dense<0.000000e+00> : vector<1xf32>
    %reduce_sum3A_30 = vector.multi_reduction <add>, %reduce_sum3A_28, %reduce_sum3A_29 [1, 2, 3, 4] : vector<1x32x1x80x80xf32> to vector<1xf32>
    %reduce_sum3A_31 = vector.shape_cast %reduce_sum3A_30 : vector<1xf32> to vector<1x1x1x1x1xf32>
    %reduce_sum3A_32 = vector.extract %reduce_sum3A_31[0, 0, 0, 0, 0] : f32 from vector<1x1x1x1x1xf32>
    %add3A_33 = arith.addf %get3A_22, %reduce_sum3A_32 : f32
    %swap3A_34 = arith.constant 0 : index
    %swap3A_35 = arith.constant 4 : index
    %swap3A_36 = memref.load %arg11[%swap3A_34, %swap3A_35] : memref<3x8xf32, #tpu.memory_space<smem>>
    memref.store %add3A_33, %arg11[%swap3A_34, %swap3A_35] : memref<3x8xf32, #tpu.memory_space<smem>>
    %get3A_37 = arith.constant 0 : index
    %get3A_38 = arith.constant 0 : index
    %get3A_39 = arith.constant 0 : index
    %get3A_40 = arith.constant 0 : index
    %get3A_41 = vector.load %arg2[%get3A_37, %get3A_38, %get3A_39, %get3A_40] : memref<32x1x40x40xf32, #tpu.memory_space<vmem>>, vector<32x1x40x40xf32>
    %get3A_42 = arith.constant 1 : index
    %get3A_43 = arith.constant 3 : index
    %get3A_44 = memref.load %arg11[%get3A_42, %get3A_43] : memref<3x8xf32, #tpu.memory_space<smem>>
    %max3A_45 = arith.constant 0.000000e+00 : f32
    %max3A_46 = vector.broadcast %max3A_45 : f32 to vector<32x1x40x40xf32>
    %max3A_47 = arith.maximumf %get3A_41, %max3A_46 : vector<32x1x40x40xf32>
    %abs3A_48 = math.absf %get3A_41 : vector<32x1x40x40xf32>
    %neg3A_49 = arith.constant 0.000000e+00 : f32
    %neg3A_50 = vector.broadcast %neg3A_49 : f32 to vector<32x1x40x40xf32>
    %neg3A_51 = arith.subf %neg3A_50, %abs3A_48 : vector<32x1x40x40xf32>
    %exp3A_52 = math.exp %neg3A_51 : vector<32x1x40x40xf32>
    %log1p3A_53 = math.log1p %exp3A_52 : vector<32x1x40x40xf32>
    %add3A_54 = arith.addf %max3A_47, %log1p3A_53 : vector<32x1x40x40xf32>
    %reduce_sum3A_55 = vector.shape_cast %add3A_54 : vector<32x1x40x40xf32> to vector<1x32x1x40x40xf32>
    %reduce_sum3A_56 = arith.constant dense<0.000000e+00> : vector<1xf32>
    %reduce_sum3A_57 = vector.multi_reduction <add>, %reduce_sum3A_55, %reduce_sum3A_56 [1, 2, 3, 4] : vector<1x32x1x40x40xf32> to vector<1xf32>
    %reduce_sum3A_58 = vector.shape_cast %reduce_sum3A_57 : vector<1xf32> to vector<1x1x1x1x1xf32>
    %reduce_sum3A_59 = vector.extract %reduce_sum3A_58[0, 0, 0, 0, 0] : f32 from vector<1x1x1x1x1xf32>
    %add3A_60 = arith.addf %get3A_44, %reduce_sum3A_59 : f32
    %swap3A_61 = arith.constant 1 : index
    %swap3A_62 = arith.constant 3 : index
    %swap3A_63 = memref.load %arg11[%swap3A_61, %swap3A_62] : memref<3x8xf32, #tpu.memory_space<smem>>
    memref.store %add3A_60, %arg11[%swap3A_61, %swap3A_62] : memref<3x8xf32, #tpu.memory_space<smem>>
    %get3A_64 = arith.constant 1 : index
    %get3A_65 = arith.constant 4 : index
    %get3A_66 = memref.load %arg11[%get3A_64, %get3A_65] : memref<3x8xf32, #tpu.memory_space<smem>>
    %get3A_67 = arith.constant 0 : index
    %get3A_68 = arith.constant 0 : index
    %get3A_69 = arith.constant 0 : index
    %get3A_70 = arith.constant 0 : index
    %get3A_71 = vector.load %arg5[%get3A_67, %get3A_68, %get3A_69, %get3A_70] : memref<32x1x40x40xf32, #tpu.memory_space<vmem>>, vector<32x1x40x40xf32>
    %mul3A_72 = arith.mulf %get3A_71, %get3A_41 : vector<32x1x40x40xf32>
    %reduce_sum3A_73 = vector.shape_cast %mul3A_72 : vector<32x1x40x40xf32> to vector<1x32x1x40x40xf32>
    %reduce_sum3A_74 = arith.constant dense<0.000000e+00> : vector<1xf32>
    %reduce_sum3A_75 = vector.multi_reduction <add>, %reduce_sum3A_73, %reduce_sum3A_74 [1, 2, 3, 4] : vector<1x32x1x40x40xf32> to vector<1xf32>
    %reduce_sum3A_76 = vector.shape_cast %reduce_sum3A_75 : vector<1xf32> to vector<1x1x1x1x1xf32>
    %reduce_sum3A_77 = vector.extract %reduce_sum3A_76[0, 0, 0, 0, 0] : f32 from vector<1x1x1x1x1xf32>
    %add3A_78 = arith.addf %get3A_66, %reduce_sum3A_77 : f32
    %swap3A_79 = arith.constant 1 : index
    %swap3A_80 = arith.constant 4 : index
    %swap3A_81 = memref.load %arg11[%swap3A_79, %swap3A_80] : memref<3x8xf32, #tpu.memory_space<smem>>
    memref.store %add3A_78, %arg11[%swap3A_79, %swap3A_80] : memref<3x8xf32, #tpu.memory_space<smem>>
    %get3A_82 = arith.constant 0 : index
    %get3A_83 = arith.constant 0 : index
    %get3A_84 = arith.constant 0 : index
    %get3A_85 = arith.constant 0 : index
    %get3A_86 = vector.load %arg3[%get3A_82, %get3A_83, %get3A_84, %get3A_85] : memref<32x1x20x20xf32, #tpu.memory_space<vmem>>, vector<32x1x20x20xf32>
    %get3A_87 = arith.constant 2 : index
    %get3A_88 = arith.constant 3 : index
    %get3A_89 = memref.load %arg11[%get3A_87, %get3A_88] : memref<3x8xf32, #tpu.memory_space<smem>>
    %max3A_90 = arith.constant 0.000000e+00 : f32
    %max3A_91 = vector.broadcast %max3A_90 : f32 to vector<32x1x20x20xf32>
    %max3A_92 = arith.maximumf %get3A_86, %max3A_91 : vector<32x1x20x20xf32>
    %abs3A_93 = math.absf %get3A_86 : vector<32x1x20x20xf32>
    %neg3A_94 = arith.constant 0.000000e+00 : f32
    %neg3A_95 = vector.broadcast %neg3A_94 : f32 to vector<32x1x20x20xf32>
    %neg3A_96 = arith.subf %neg3A_95, %abs3A_93 : vector<32x1x20x20xf32>
    %exp3A_97 = math.exp %neg3A_96 : vector<32x1x20x20xf32>
    %log1p3A_98 = math.log1p %exp3A_97 : vector<32x1x20x20xf32>
    %add3A_99 = arith.addf %max3A_92, %log1p3A_98 : vector<32x1x20x20xf32>
    %reduce_sum3A_100 = vector.shape_cast %add3A_99 : vector<32x1x20x20xf32> to vector<1x32x1x20x20xf32>
    %reduce_sum3A_101 = arith.constant dense<0.000000e+00> : vector<1xf32>
    %reduce_sum3A_102 = vector.multi_reduction <add>, %reduce_sum3A_100, %reduce_sum3A_101 [1, 2, 3, 4] : vector<1x32x1x20x20xf32> to vector<1xf32>
    %reduce_sum3A_103 = vector.shape_cast %reduce_sum3A_102 : vector<1xf32> to vector<1x1x1x1x1xf32>
    %reduce_sum3A_104 = vector.extract %reduce_sum3A_103[0, 0, 0, 0, 0] : f32 from vector<1x1x1x1x1xf32>
    %add3A_105 = arith.addf %get3A_89, %reduce_sum3A_104 : f32
    %swap3A_106 = arith.constant 2 : index
    %swap3A_107 = arith.constant 3 : index
    %swap3A_108 = memref.load %arg11[%swap3A_106, %swap3A_107] : memref<3x8xf32, #tpu.memory_space<smem>>
    memref.store %add3A_105, %arg11[%swap3A_106, %swap3A_107] : memref<3x8xf32, #tpu.memory_space<smem>>
    %get3A_109 = arith.constant 2 : index
    %get3A_110 = arith.constant 4 : index
    %get3A_111 = memref.load %arg11[%get3A_109, %get3A_110] : memref<3x8xf32, #tpu.memory_space<smem>>
    %get3A_112 = arith.constant 0 : index
    %get3A_113 = arith.constant 0 : index
    %get3A_114 = arith.constant 0 : index
    %get3A_115 = arith.constant 0 : index
    %get3A_116 = vector.load %arg6[%get3A_112, %get3A_113, %get3A_114, %get3A_115] : memref<32x1x20x20xf32, #tpu.memory_space<vmem>>, vector<32x1x20x20xf32>
    %mul3A_117 = arith.mulf %get3A_116, %get3A_86 : vector<32x1x20x20xf32>
    %reduce_sum3A_118 = vector.shape_cast %mul3A_117 : vector<32x1x20x20xf32> to vector<1x32x1x20x20xf32>
    %reduce_sum3A_119 = arith.constant dense<0.000000e+00> : vector<1xf32>
    %reduce_sum3A_120 = vector.multi_reduction <add>, %reduce_sum3A_118, %reduce_sum3A_119 [1, 2, 3, 4] : vector<1x32x1x20x20xf32> to vector<1xf32>
    %reduce_sum3A_121 = vector.shape_cast %reduce_sum3A_120 : vector<1xf32> to vector<1x1x1x1x1xf32>
    %reduce_sum3A_122 = vector.extract %reduce_sum3A_121[0, 0, 0, 0, 0] : f32 from vector<1x1x1x1x1xf32>
    %add3A_123 = arith.addf %get3A_111, %reduce_sum3A_122 : f32
    %swap3A_124 = arith.constant 2 : index
    %swap3A_125 = arith.constant 4 : index
    %swap3A_126 = memref.load %arg11[%swap3A_124, %swap3A_125] : memref<3x8xf32, #tpu.memory_space<smem>>
    memref.store %add3A_123, %arg11[%swap3A_124, %swap3A_125] : memref<3x8xf32, #tpu.memory_space<smem>>
    return
  }
  func.func @transform_0(%arg0: i32) -> (i32, i32, i32, i32) {
    %mul3A = arith.constant 12 : i32
    %mul3A_0 = arith.muli %mul3A, %arg0 : i32
    %add3A = arith.constant 4 : i32
    %add3A_1 = arith.addi %add3A, %mul3A_0 : i32
    %c0_i32 = arith.constant 0 : i32
    %c0_i32_2 = arith.constant 0 : i32
    %c0_i32_3 = arith.constant 0 : i32
    %c0_i32_4 = arith.constant 0 : i32
    return %c0_i32, %add3A_1, %c0_i32_2, %c0_i32_3 : i32, i32, i32, i32
  }
  func.func @transform_1(%arg0: i32) -> (i32, i32, i32, i32) {
    %mul3A = arith.constant 12 : i32
    %mul3A_0 = arith.muli %mul3A, %arg0 : i32
    %add3A = arith.constant 4 : i32
    %add3A_1 = arith.addi %add3A, %mul3A_0 : i32
    %c0_i32 = arith.constant 0 : i32
    %c0_i32_2 = arith.constant 0 : i32
    %c0_i32_3 = arith.constant 0 : i32
    %c0_i32_4 = arith.constant 0 : i32
    return %c0_i32, %add3A_1, %c0_i32_2, %c0_i32_3 : i32, i32, i32, i32
  }
  func.func @transform_2(%arg0: i32) -> (i32, i32, i32, i32) {
    %mul3A = arith.constant 12 : i32
    %mul3A_0 = arith.muli %mul3A, %arg0 : i32
    %add3A = arith.constant 4 : i32
    %add3A_1 = arith.addi %add3A, %mul3A_0 : i32
    %c0_i32 = arith.constant 0 : i32
    %c0_i32_2 = arith.constant 0 : i32
    %c0_i32_3 = arith.constant 0 : i32
    %c0_i32_4 = arith.constant 0 : i32
    return %c0_i32, %add3A_1, %c0_i32_2, %c0_i32_3 : i32, i32, i32, i32
  }
  func.func @transform_3(%arg0: i32) -> (i32, i32, i32, i32) {
    %c0_i32 = arith.constant 0 : i32
    %c0_i32_0 = arith.constant 0 : i32
    %c0_i32_1 = arith.constant 0 : i32
    %c0_i32_2 = arith.constant 0 : i32
    return %c0_i32, %arg0, %c0_i32_0, %c0_i32_1 : i32, i32, i32, i32
  }
  func.func @transform_4(%arg0: i32) -> (i32, i32, i32, i32) {
    %c0_i32 = arith.constant 0 : i32
    %c0_i32_0 = arith.constant 0 : i32
    %c0_i32_1 = arith.constant 0 : i32
    %c0_i32_2 = arith.constant 0 : i32
    return %c0_i32, %arg0, %c0_i32_0, %c0_i32_1 : i32, i32, i32, i32
  }
  func.func @transform_5(%arg0: i32) -> (i32, i32, i32, i32) {
    %c0_i32 = arith.constant 0 : i32
    %c0_i32_0 = arith.constant 0 : i32
    %c0_i32_1 = arith.constant 0 : i32
    %c0_i32_2 = arith.constant 0 : i32
    return %c0_i32, %arg0, %c0_i32_0, %c0_i32_1 : i32, i32, i32, i32
  }
  func.func @transform_6(%arg0: i32) -> (i32, i32, i32) {
    %c0_i32 = arith.constant 0 : i32
    %c0_i32_0 = arith.constant 0 : i32
    %c0_i32_1 = arith.constant 0 : i32
    %c0_i32_2 = arith.constant 0 : i32
    return %c0_i32, %c0_i32_0, %c0_i32_1 : i32, i32, i32
  }
  func.func @transform_7(%arg0: i32) -> (i32, i32, i32) {
    %c0_i32 = arith.constant 0 : i32
    %c0_i32_0 = arith.constant 0 : i32
    %c0_i32_1 = arith.constant 0 : i32
    %c0_i32_2 = arith.constant 0 : i32
    return %c0_i32, %c0_i32_0, %c0_i32_1 : i32, i32, i32
  }
  func.func @transform_8(%arg0: i32) -> (i32, i32, i32) {
    %c0_i32 = arith.constant 0 : i32
    %c0_i32_0 = arith.constant 0 : i32
    %c0_i32_1 = arith.constant 0 : i32
    %c0_i32_2 = arith.constant 0 : i32
    return %c0_i32, %c0_i32_0, %c0_i32_1 : i32, i32, i32
  }
  func.func @transform_9(%arg0: i32) -> (i32, i32, i32) {
    %c0_i32 = arith.constant 0 : i32
    %c0_i32_0 = arith.constant 0 : i32
    %c0_i32_1 = arith.constant 0 : i32
    %c0_i32_2 = arith.constant 0 : i32
    return %c0_i32, %c0_i32_0, %c0_i32_1 : i32, i32, i32
  }
  func.func @transform_10(%arg0: i32) -> (i32, i32) {
    %c0_i32 = arith.constant 0 : i32
    %c0_i32_0 = arith.constant 0 : i32
    %c0_i32_1 = arith.constant 0 : i32
    return %c0_i32, %c0_i32_0 : i32, i32
  }
}

</mosaic_0001>

<sc_bundles>
// kernel: gather_offload_async_start.1
scs
__scs_entry_jumppad:
0x0: {  	(pc) =	sbr.rel $0x88, $3  }
0x1: {  	(tag) =	ssettag $0x0;
	lr =	simm.s32 $0x1  }
0x2: {  	[smem:$0x3F9D] =	sst lr;
	_ =	strace $0xD0000000  }
0x3: {  	_ = 	snop  }
0x4: {  	_ = 	snop  }
0x5: {  	_ = 	snop  }
0x6: {  	_ = 	snop  }
0x7: {  	_ = 	snop  }
__scs_overlays_trampoline_lowered:
0x8: {  	[smem:$0x3FAC] =	sst s0  }
0x9: {  	[smem:$0x3FAD] =	sst s1  }
0xa: {  	[smem:$0x3FAE] =	sst s2  }
0xb: {  	[smem:$0x3FAF] =	sst s3  }
0xc: {  	[smem:$0x3FB0] =	sst s4  }
0xd: {  	[smem:$0x3FB1] =	sst s5  }
0xe: {  	[smem:$0x3FB2] =	sst s6  }
0xf: {  	[smem:$0x3FB3] =	sst s7  }
0x10: {  	[smem:$0x3FB4] =	sst s8  }
0x11: {  	[smem:$0x3FB5] =	sst s9;
	s0 =	simm.s32 @!p0 $0x0  }
0x12: {  	s1 =	sld [smem:$0x3F9B];
	s0 =	simm.s32 @p0 $0x1  }
0x13: {  	[smem:$0x3FB6] =	sst s0;
	s0 =	simm.s32 @!p1 $0x0  }
0x14: {  	s2 =	sld [smem:$0x3F9A];
	s0 =	simm.s32 @p1 $0x1  }
0x15: {  	[smem:$0x3FB7] =	sst s0;
	s0 =	simm.s32 @!p2 $0x0  }
0x16: {  	s3 =	sld [smem:$0x3FDB];
	s0 =	simm.s32 @p2 $0x1  }
0x17: {  	s4 =	simm.s32 $0x1BF5;
	[smem:$0x3FB9] =	sst s0  }
0x18: {  	s0 =	sld [smem:$0x3F9C];
	_ =	swait.ge [sflag:s4], $0x0  }
0x19: {  	s7 =	sld [smem:$0x3F9D]  }
0x1a: {  	s8 =	sadd.s32 $0xFFFFE003, lr  }
0x1b: {  	s9 =	sadd.s32 $0xFFFFFEF7, lr;
	s5 =	simm.s32 $0xFFFFFFFF;
	p2 =	slt.u32 s8, $0xFFFFF086  }
0x1c: {  	p1 =	slt.u32 s9, $0xF7A;
	s5 =	simm.s32 @!p2 $0x0  }
0x1d: {  	s5 =	simm.s32 @p1 $0x1;
	p0 =	seq.s32 s7, s2  }
0x1e: {  	s7 =	smul.u32 @!p0 $0xF7A, s2;
	p2 =	seq.s32 @!p0 s5, $0x0  }
0x1f: {  	s9 =	smul.u32 $0xF7A, s1;
	s8 =	simm.s32 @!p0 $0x1BF5;
	p2 =	por !p2, p0  }
0x20: {  	[sflag:s8] =	ssyncset.s32 @!p0 $0xFFFFF086;
	s6 =	sadd.s32 @!p0 s3, s7;
	s7 =	simm.s32 @!p0 $0x108  }
0x21: {  	s3 =	sadd.s32 s3, s9;
	s6 =	sadd.s32 @!p0 $0x88, s6;
	s7 =	simm.s32 @p2 $0x1082  }
0x22: {  	[simem:s7], [sflag:s8] =	dma.local @!p0 [hbm:s6], $0xF7A  }
0x23: {  	s9 =	sor.u32 $0xD0000000, s2;
	s6 =	simm.s32 $0x108;
	_ =	swait.ge @!p0 [sflag:s8], $0x0  }
0x24: {  	s3 =	sadd.s32 $0x88, s3;
	s6 =	simm.s32 @!p1 $0x1082;
	[sflag:s4] =	ssyncset.s32 $0xFFFFF086  }
0x25: {  	[simem:s6], [sflag:s4] =	dma.local [hbm:s3], $0xF7A  }
0x26: {  	[smem:$0x3F9D] =	sst s1;
	(tag) =	ssettag s2;
	_ =	strace s9  }
0x27: {  	s1 =	sld [smem:$0x3FAD]  }
0x28: {  	s2 =	sld [smem:$0x3FAE]  }
0x29: {  	s4 =	sld [smem:$0x3FB0]  }
0x2a: {  	p0 =	seq.s32 s5, $0x0;
	s5 =	sld [smem:$0x3FB1]  }
0x2b: {  	s6 =	sld [smem:$0x3FB2]  }
0x2c: {  	s7 =	sld [smem:$0x3FB3]  }
0x2d: {  	s3 =	simm.s32 $0x108;
	s8 =	sld [smem:$0x3FB4]  }
0x2e: {  	s3 =	simm.s32 @!p0 $0x1082;
	s9 =	sld [smem:$0x3FB5]  }
0x2f: {  	lr =	sadd.s32 s0, s3;
	s0 =	sld [smem:$0x3FAC]  }
0x30: {  	s3 =	sld [smem:$0x3FAF]  }
0x31: {  	[smem:$0x3FB8] =	sst s10  }
0x32: {  	s10 =	sld [smem:$0x3FB6];
	_ =	sdelay $0x3  }
0x33: {  	p0 =	seq.s32 s10, $0x1;
	s10 =	sld [smem:$0x3FB8];
	_ =	sdelay $0x3  }
0x34: {  	[smem:$0x3FB8] =	sst s10  }
0x35: {  	s10 =	sld [smem:$0x3FB7];
	_ =	sdelay $0x3  }
0x36: {  	p1 =	seq.s32 s10, $0x1;
	s10 =	sld [smem:$0x3FB8];
	_ =	sdelay $0x3  }
0x37: {  	[smem:$0x3FB8] =	sst s10  }
0x38: {  	s10 =	sld [smem:$0x3FB9]  }
0x39: {  	_ = 	snop;
	(pc) =	sbr.ind lr, $3  }
0x3a: {  	_ = 	snop  }
0x3b: {  	_ = 	snop  }
0x3c: {  	p2 =	seq.s32 s10, $0x1;
	s10 =	sld [smem:$0x3FB8]  }
0x3d: {  	_ =	shalt  }
0x3e: {  	_ =	shalt  }
0x3f: {  	_ =	shalt  }
0x40: {  	_ =	shalt  }
0x41: {  	_ =	shalt  }
0x42: {  	_ =	shalt  }
0x43: {  	_ =	shalt  }
0x44: {  	_ =	shalt  }
0x45: {  	_ =	shalt  }
0x46: {  	_ =	shalt  }
0x47: {  	_ =	shalt  }
0x48: {  	_ =	shalt  }
0x49: {  	_ =	shalt  }
0x4a: {  	_ =	shalt  }
0x4b: {  	_ =	shalt  }
0x4c: {  	_ =	shalt  }
0x4d: {  	_ =	shalt  }
0x4e: {  	_ =	shalt  }
0x4f: {  	_ =	shalt  }
0x50: {  	_ =	shalt  }
0x51: {  	_ =	shalt  }
0x52: {  	_ =	shalt  }
0x53: {  	_ =	shalt  }
0x54: {  	_ =	shalt  }
0x55: {  	_ =	shalt  }
0x56: {  	_ =	shalt  }
0x57: {  	_ =	shalt  }
0x58: {  	_ =	shalt  }
0x59: {  	_ =	shalt  }
0x5a: {  	_ =	shalt  }
0x5b: {  	_ =	shalt  }
0x5c: {  	_ =	shalt  }
0x5d: {  	_ =	shalt  }
0x5e: {  	_ =	shalt  }
0x5f: {  	_ =	shalt  }
0x60: {  	_ =	shalt  }
0x61: {  	_ =	shalt  }
0x62: {  	_ =	shalt  }
0x63: {  	_ =	shalt  }
0x64: {  	_ =	shalt  }
0x65: {  	_ =	shalt  }
0x66: {  	_ =	shalt  }
0x67: {  	_ =	shalt  }
0x68: {  	_ =	shalt  }
0x69: {  	_ =	shalt  }
0x6a: {  	_ =	shalt  }
0x6b: {  	_ =	shalt  }
0x6c: {  	_ =	shalt  }
0x6d: {  	_ =	shalt  }
0x6e: {  	_ =	shalt  }
0x6f: {  	_ =	shalt  }
0x70: {  	_ =	shalt  }
0x71: {  	_ =	shalt  }
0x72: {  	_ =	shalt  }
0x73: {  	_ =	shalt  }
0x74: {  	_ =	shalt  }
0x75: {  	_ =	shalt  }
0x76: {  	_ =	shalt  }
0x77: {  	_ =	shalt  }
0x78: {  	_ =	shalt  }
0x79: {  	_ =	shalt  }
0x7a: {  	_ =	shalt  }
0x7b: {  	_ =	shalt  }
0x7c: {  	_ =	shalt  }
0x7d: {  	_ =	shalt  }
0x7e: {  	_ =	shalt  }
0x7f: {  	_ =	shalt  }
0x80: {  	_ =	shalt  }
0x81: {  	_ =	shalt  }
0x82: {  	_ =	shalt  }
0x83: {  	_ =	shalt  }
0x84: {  	_ =	shalt  }
0x85: {  	_ =	shalt  }
0x86: {  	_ =	shalt  }
0x87: {  	_ =	shalt  }
.Lfunc_end0:
.L_simem_size_0:
called_computation.1_lowered:
.L_overlay_start_0:
0x88: {  	s2 =	sld [smem:$0x3FD9]  }
0x89: {  	s3 =	sld [smem:$0x3FFE];
	_ =	sdelay $0x1  }
0x8a: {  	s1 =	srdreg.scid  }
0x8b: {  	s0 =	sand.u32 $0x1, s1  }
0x8c: {  	s16 =	sshll.u32 s0, $0xA;
	s2 =	sadd.s32 s3, s2  }
0x8d: {  	s2 =	sadd.s32 s2, s16  }
0x8e: {  	[smem:$0x3FC4] =	sst s2  }
0x8f: {  	_ = 	snop  }
0x90: {  	(tm) =	ssettm $0x1  }
0x91: {  	s17 =	sld [smem:$0x3FFB];
	_ =	sdelay $0x3  }
0x92: {  	_ =	strace s17  }
0x93: {  	s2 =	sld [smem:$0x3FFC];
	_ =	sdelay $0x3  }
0x94: {  	_ =	strace s2  }
0x95: {  	s2 =	sld [smem:$0x3FFD];
	_ =	sdelay $0x3  }
0x96: {  	_ =	strace s2  }
0x97: {  	_ =	strace $0x8FFFFFFF  }
0x98: {  	s18 =	sld [smem:$0x3FDB];
	_ =	sdelay $0x1  }
0x99: {  	s19 =	simm.s32 $_scs_section_size  }
0x9a: {  	s4 =	simm.s32 $_size__tile_overlayer_lowered;
	s5 =	simm.s32 $_tile_overlayer_lowered  }
0x9b: {  	s22 =	simm.s32 $0x1BFF;
	s21 =	sshll.u32 s5, $0x1;
	s2 =	sadd.s32 s19, s18  }
0x9c: {  	s6 =	simm.s32 $0x0;
	s20 =	sshll.u32 s4, $0x1;
	s4 =	sadd.s32 s21, s2  }
0x9d: {  	[timem:s6], [sflag:s22] =	dma.local [hbm:s4], s20  }
0x9e: {  	_ =	swait.ge [sflag:s22], s20  }
0x9f: {  	s3 =	ssub.s32 $0x0, s20;
	[sflag:s22] =	ssyncset.done $0x0  }
0xa0: {  	[sflag:s22] =	ssyncadd.s32 s3;
	_ =	sdelay $0x1  }
0xa1: {  	s23 =	simm.s32 $0x1B8B  }
0xa2: {  	_ =	swait.ge [sflag:s23], $0x1  }
0xa3: {  	[sflag:s23] =	ssyncset.done $0x0  }
0xa4: {  	s25 =	simm.s32 $0x1B8E;
	s24 =	sld [smem:$0x3FFE];
	[sflag:s23] =	ssyncadd.s32 $0xFFFFFFFF  }
0xa5: {  	s26 =	simm.s32 $execute0_lowered;
	[smem:$0x3FD2] =	sst s25  }
0xa6: {  	s4 =	sshll.u32 s26, $0x1;
	_ =	strace $0x8000004C;
	[dreg:$0x1] =	wrdreg $0xFFFFFFFF  }
0xa7: {  	s28 =	simm.s32 $_size_execute0_lowered;
	s2 =	sadd.s32 s2, s4;
	[dreg:$0x0] =	wrdreg $0x0  }
0xa8: {  	s4 =	sshll.u32 s28, $0x1;
	[dreg:$0x2] =	wrdreg s2  }
0xa9: {  	[dreg:$0x3] =	wrdreg s4  }
0xaa: {  	[dreg:$0x4] =	wrdreg $0xC0  }
0xab: {  	_ =	task [dreg:s6], $0x5FFFF  }
0xac: {  	[dreg:$0x1] =	wrdreg $0xFFFFFFFF  }
0xad: {  	[dreg:$0x0] =	wrdreg $0x60  }
0xae: {  	[dreg:$0x2] =	wrdreg s24  }
0xaf: {  	[dreg:$0x3] =	wrdreg $0x9  }
0xb0: {  	_ =	task.clear_ibuf [dreg:s6], $0x4FFFF;
	_ =	strace $0x9000004C  }
0xb1: {  	s29 =	simm.s32 $0x9;
	_ =	strace $0x8000004E  }
0xb2: {  	_ =	swait.ge [sflag:s29], $0x1  }
0xb3: {  	[sflag:s29] =	ssyncadd.s32 $0xFFFFFFFF  }
0xb4: {  	_ =	strace $0x9000004E  }
0xb5: {  	_ =	sfence  }
0xb6: {  	s30 =	sld [smem:$0x0];
	_ =	sdelay $0x2  }
0xb7: {  	s31 =	sshll.u32 s1, $0xD;
	s1 =	sshrl.u32 s1, $0x2  }
0xb8: {  	s3 =	sand.u32 $0x4000, s31;
	s1 =	sadd.s32 s1, s30  }
0xb9: {  	s0 =	sor.u32 s3, s0;
	s1 =	sshll.u32 s1, $0x11  }
0xba: {  	s0 =	sor.u32 s1, s0  }
0xbb: {  	s0 =	sadd.s32 $0x8F2B, s0  }
0xbc: {  	[sflag:s0] =	ssyncadd.remote.s32 $0x1  }
0xbd: {  	_ =	sfence.sel $0xFFFF  }
0xbe: {  	[dreg:$0x0] =	wrdreg $0xFFFFFFFF;
	(pc) =	sbr.abs _section_cstart, $3  }
0xbf: {  	[dreg:$0x1] =	wrdreg $0xFFFFFFFF  }
0xc0: {  	_ =	task.clear_ibuf [dreg:s6], $0x2FFFF;
	_ =	strace $0x9FFFFFFF  }
0xc1: {  	(tm) =	ssettm $0x7FFFFFFF  }
tec
execute0_lowered:
.L_overlay_start_1:
0x0: {  	(tag) =	ssettag $0x1  }
0x1: {  	s8 =	rddreg [dreg:$0x0]  }
0x2: {  	s0 =	rddreg [dreg:$0x1];
	_ =	strace $0x8000004D;
	s1 =	stileid.u32  }
0x3: {  	s3 =	srdreg.scid;
	s4 =	simm.s32 $0x1;
	s7 =	simm.s32 $0x1  }
0x4: {  	s9 =	simm.s32 $0x1;
	s10 =	simm.s32 $0x3;
	s13 =	simm.s32 $0x0  }
0x5: {  	s12 =	simm.s32 $0x0;
	s5 =	sand.u32 $0x1, s3;
	s6 =	sshll.u32 s1, $0x1  }
0x6: {  	s2 =	sadd.s32 $0x16A000, s8;
	s3 =	sadd.s32 $0x165800, s8;
	s5 =	sor.u32 s6, s5  }
.Ltmp0:
0x7: {  	[sflag:s4] =	ssyncpa.u1 $0x0;
	p0 =	slt.u32 s5, $0x5;
	(pc) =	sbr.rel .LBB2_1-.Ltmp0, $4  }
0x8: {  	s6 =	simm.s32 $0x2;
	s7 =	simm.s32 @!p0 $0x0;
	p0 =	sne.s32 s5, $0x4  }
0x9: {  	[sflag:s6] =	ssyncpa.u1 $0x0;
	s5 =	smul.u32 $0xFA0, s5;
	s9 =	simm.s32 @!p0 $0x0  }
0xa: {  	s8 =	sadd.s32 $0x1600, s8;
	[sflag:s10] =	ssyncpa.u1 $0x0;
	s7 =	sadd.s32 s9, s7  }
0xb: {  	vm0 =	vmmov $0xffff;
	s10 =	simm.s32 $0x0;
	s11 =	smov.u32 s5;
	s9 =	sadd.s32 $0x1, s7  }
.LBB2_4:
0xc: {  	v2 =	vnsel vm1, $0x0, v2  }
0xd: {  	vm1 =	vgt.s32 v0, $0x0;
	v2 =	vmin.u32 v2, $0x1C1FFF  }
0xe: {  	v0 =	vnsel vm1, $0x0, v0  }
0xf: {  	v0 =	vmin.u32 v0, $0x1C1FFF  }
0x10: {  	[tilespmem:s18], [sflag:$0x1] =	stream.indirect_vreg.gather [hbm4b:s2+s10], $0x1, v1, vm0, $0x4038;
	[tilespmem:$0x3E80] =	vst v63  }
0x11: {  	(ifvalue) =	ssetifvalue $0x7FFFFFFF  }
0x12: {  	[tilespmem:s15], [sflag:$0x1] =	stream.indirect_vreg.gather [hbm4b:s2+s10], $0x1, v2, vm0, $0x4038;
	[tilespmem:$0x3E80] =	vst v63  }
0x13: {  	s29 =	sadd.s32 $0x10, s15;
	(ifvalue) =	ssetifvalue $0x7FFFFFFF  }
0x14: {  	[tilespmem:s29], [sflag:$0x1] =	stream.indirect_vreg.gather [hbm4b:s2+s10], $0x1, v0, vm0, $0x4038;
	[tilespmem:$0x3E80] =	vst v63  }
0x15: {  	_ =	swait.ge [sflag:s4], $0xFA0  }
0x16: {  	s30 =	sshrl.u32 s13, $0x3;
	[sflag:s4] =	ssyncset.done $0x0  }
0x17: {  	s31 =	sand.u32 $0x7, s13;
	s15 =	sadd.s32 s8, s30;
	[sflag:s4] =	ssyncadd.s32 $0xFFFFF060  }
0x18: {  	[hbm4b:s15+s31] =	stream.linear.scatter [tilespmem:s14], [sflag:$0x3], $0xFA0, $0x38;
	[tilespmem:$0x3E80] =	vst v63  }
.LBB2_5:
0x19: {  	s15 =	sadd.s32 $0x1F400, s11  }
0x1a: {  	p1 =	sgt.s32 s15, $0x2327F  }
0x1b: {  	s15 =	smov.u32 @p1 s5;
	p1 =	sne.s32 s12, s9  }
.Ltmp1:
0x1c: {  	p0 =	slt.u32 s12, $0x2;
	(pc) =	sbr.rel @!p1 .LBB2_6-.Ltmp1, $4  }
0x1d: {  	s14 =	simm.s32 @!p0 $0x3  }
0x1e: {  	_ =	swait.ge @!p0 [sflag:s14], $0xFA0  }
0x1f: {  	s16 =	sadd.s32 $0x1, s12;
	s13 =	smov.u32 s11;
	[sflag:s14] =	ssyncset.done @!p0 $0x0  }
0x20: {  	s12 =	smov.u32 s16;
	s11 =	smov.u32 s15;
	[sflag:s14] =	ssyncadd.s32 @!p0 $0xFFFFF060  }
.LBB2_1:
0x21: {  	p0 =	sge.u32 s12, s7  }
0x22: {  	s14 =	sxor.u32 @!p0 $0x1, s12  }
0x23: {  	s14 =	smul.u32 @!p0 $0x3E80, s14  }
0x24: {  	s31 =	sadd.s32 $0xFFFFFFFF, s12;
	s15 =	sshrl.u32 @!p0 s11, $0x3  }
0x25: {  	s16 =	sand.u32 @!p0 $0x7, s11;
	s15 =	sadd.s32 @!p0 s3, s15;
	s14 =	sshra.s32 @!p0 s14, $0x2  }
0x26: {  	[tilespmem:s14], [sflag:$0x2] =	stream.linear.gather @!p0 [hbm4b:s15+s16], $0xFA0, $0x38;
	[tilespmem:$0x3E80] =	vst v63  }
0x27: {  	p0 =	sge.u32 s31, s7  }
.Ltmp2:
0x28: {  	_ = 	snop;
	(pc) =	sbr.rel @p0 .LBB2_5-.Ltmp2, $1  }
0x29: {  	_ =	sdelay $0x3  }
0x2a: {  	s14 =	sand.u32 $0x1, s12  }
0x2b: {  	_ =	swait.ge [sflag:s6], $0xFA0;
	p0 =	seq.s32 s14, $0x1;
	s14 =	simm.s32 $0xFA0  }
0x2c: {  	[sflag:s6] =	ssyncset.done $0x0;
	s14 =	simm.s32 @!p0 $0x0  }
0x2d: {  	[sflag:s6] =	ssyncadd.s32 $0xFFFFF060;
	(ifvalue) =	ssetifvalue $0x7FFFFFFF;
	v0 =	vld.msk [tilespmem:s14+$0x0 ss:$0x1], $0xffff;
	_ =	sdelay $0x4  }
0x2e: {  	s15 =	sadd.s32 $0x10, s14;
	vm1 =	vgt.s32 v0, $0x0  }
0x2f: {  	v2 =	vld.msk [tilespmem:s15+$0x0 ss:$0x1], $0xffff;
	v1 =	vnsel vm1, $0x0, v0  }
0x30: {  	v1 =	vmin.u32 v1, $0x1C1FFF;
	_ =	sdelay $0x2  }
0x31: {  	s17 =	simm.s32 $0x20;
	s14 =	sadd.s32 $0x1F40, s14;
	s16 =	sadd.s32 $0x10, s15  }
0x32: {  	s15 =	sadd.s32 $0x10, s14;
	s18 =	smov.u32 s14;
	v0 =	vld.msk [tilespmem:s16+$0x0 ss:$0x1], $0xffff;
	vm1 =	vgt.s32 v2, $0x0;
	(ifvalue) =	ssetifvalue $0x7FFFFFFF  }
.LBB2_3:
0x33: {  	[tilespmem:s18], [sflag:$0x1] =	stream.indirect_vreg.gather [hbm4b:s2+s10], $0x1, v1, vm0, $0x4038;
	[tilespmem:$0x3E80] =	vst v63  }
0x34: {  	s17 =	sadd.s32 $0x10, s17  }
0x35: {  	v2 =	vnsel vm1, $0x0, v2;
	p0 =	slt.u32 s17, $0xF90  }
.Ltmp3:
0x36: {  	s18 =	smov.u32 s15;
	v1 =	vmin.u32 v2, $0x1C1FFF;
	(pc) =	sbr.rel @p0 .LBB2_3-.Ltmp3, $3  }
0x37: {  	_ =	sdelay $0x1  }
0x38: {  	s16 =	sadd.s32 $0x10, s16  }
0x39: {  	vm1 =	vgt.s32 v0, $0x0;
	s15 =	sadd.s32 $0x10, s15;
	v2 =	vmov v0;
	(ifvalue) =	ssetifvalue $0x7FFFFFFF;
	v0 =	vld.msk [tilespmem:s16+$0x0 ss:$0x1], $0xffff  }
.Ltmp4:
0x3a: {  	_ = 	snop;
	(pc) =	sbr.rel .LBB2_4-.Ltmp4, $1  }
0x3b: {  	_ =	sdelay $0x3  }
.LBB2_6:
0x3c: {  	_ =	sfence.sel $0x180000  }
0x3d: {  	s2 =	simm.s32 $0x2;
	[bflag:$0x0] =	sbarrier.arrive $0xFFFF  }
0x3e: {  	s30 =	simm.s32 $0x3;
	[sflag:s2] =	ssyncpa.u1 $0x1  }
0x3f: {  	s31 =	simm.s32 $0x1;
	[sflag:s30] =	ssyncpa.u1 $0x1  }
0x40: {  	[sflag:s31] =	ssyncpa.u1 $0x1  }
0x41: {  	p0 =	sne.s32 s1, $0x0;
	_ =	strace $0x9000004D  }
0x42: {  	s0 =	sadd.s32 @!p0 $0x100000, s0;
	[bflag:$0x2] =	sbarrier.arrive $0xFFFF  }
0x43: {  	[sflag:s0] =	ssyncadd.tile.s32 @!p0 $0x1;
	_ =	shalt  }
.Lfunc_end2:
_tile_overlayer_lowered:
.L_overlay_start_2:
0x44: {  	(tag) =	ssettag $0x2  }
0x45: {  	s0 =	rddreg [dreg:$0x0];
	s2 =	stileid.u32  }
0x46: {  	s1 =	rddreg [dreg:$0x1];
	p0 =	sne.s32 s2, $0x0  }
0x47: {  	s3 =	rddreg [dreg:$0x2];
	[bflag:$0x3] =	sbarrier.arrive $0xFFFF;
	s2 =	simm.s32 @!p0 $0x1C01  }
0x48: {  	[timem:s3], [sflag:s2] =	dma.local @!p0 [hbm:s0], s1  }
0x49: {  	s0 =	simm.s32 @!p0 $0x1  }
0x4a: {  	_ =	swait.ge @!p0 [sflag:s0], s1  }
0x4b: {  	s1 =	ssub.s32 @!p0 $0x0, s1;
	[sflag:s0] =	ssyncset.done @!p0 $0x0  }
0x4c: {  	[sflag:s0] =	ssyncadd.s32 @!p0 s1  }
0x4d: {  	[bflag:$0x3] =	sbarrier.arrive $0xFFFF  }
0x4e: {  	_ =	shalt  }

// kernel: gather_offload_async_start.2
scs
__scs_entry_jumppad:
0x0: {  	(pc) =	sbr.rel $0x88, $3  }
0x1: {  	(tag) =	ssettag $0x0;
	lr =	simm.s32 $0x1  }
0x2: {  	[smem:$0x3F9D] =	sst lr;
	_ =	strace $0xD0000000  }
0x3: {  	_ = 	snop  }
0x4: {  	_ = 	snop  }
0x5: {  	_ = 	snop  }
0x6: {  	_ = 	snop  }
0x7: {  	_ = 	snop  }
__scs_overlays_trampoline_lowered:
0x8: {  	[smem:$0x3FAC] =	sst s0  }
0x9: {  	[smem:$0x3FAD] =	sst s1  }
0xa: {  	[smem:$0x3FAE] =	sst s2  }
0xb: {  	[smem:$0x3FAF] =	sst s3  }
0xc: {  	[smem:$0x3FB0] =	sst s4  }
0xd: {  	[smem:$0x3FB1] =	sst s5  }
0xe: {  	[smem:$0x3FB2] =	sst s6  }
0xf: {  	[smem:$0x3FB3] =	sst s7  }
0x10: {  	[smem:$0x3FB4] =	sst s8  }
0x11: {  	[smem:$0x3FB5] =	sst s9;
	s0 =	simm.s32 @!p0 $0x0  }
0x12: {  	s1 =	sld [smem:$0x3F9B];
	s0 =	simm.s32 @p0 $0x1  }
0x13: {  	[smem:$0x3FB6] =	sst s0;
	s0 =	simm.s32 @!p1 $0x0  }
0x14: {  	s2 =	sld [smem:$0x3F9A];
	s0 =	simm.s32 @p1 $0x1  }
0x15: {  	[smem:$0x3FB7] =	sst s0;
	s0 =	simm.s32 @!p2 $0x0  }
0x16: {  	s3 =	sld [smem:$0x3FDB];
	s0 =	simm.s32 @p2 $0x1  }
0x17: {  	s4 =	simm.s32 $0x1BF5;
	[smem:$0x3FB9] =	sst s0  }
0x18: {  	s0 =	sld [smem:$0x3F9C];
	_ =	swait.ge [sflag:s4], $0x0  }
0x19: {  	s7 =	sld [smem:$0x3F9D]  }
0x1a: {  	s8 =	sadd.s32 $0xFFFFE003, lr  }
0x1b: {  	s9 =	sadd.s32 $0xFFFFFEF7, lr;
	s5 =	simm.s32 $0xFFFFFFFF;
	p2 =	slt.u32 s8, $0xFFFFF086  }
0x1c: {  	p1 =	slt.u32 s9, $0xF7A;
	s5 =	simm.s32 @!p2 $0x0  }
0x1d: {  	s5 =	simm.s32 @p1 $0x1;
	p0 =	seq.s32 s7, s2  }
0x1e: {  	s7 =	smul.u32 @!p0 $0xF7A, s2;
	p2 =	seq.s32 @!p0 s5, $0x0  }
0x1f: {  	s9 =	smul.u32 $0xF7A, s1;
	s8 =	simm.s32 @!p0 $0x1BF5;
	p2 =	por !p2, p0  }
0x20: {  	[sflag:s8] =	ssyncset.s32 @!p0 $0xFFFFF086;
	s6 =	sadd.s32 @!p0 s3, s7;
	s7 =	simm.s32 @!p0 $0x108  }
0x21: {  	s3 =	sadd.s32 s3, s9;
	s6 =	sadd.s32 @!p0 $0x88, s6;
	s7 =	simm.s32 @p2 $0x1082  }
0x22: {  	[simem:s7], [sflag:s8] =	dma.local @!p0 [hbm:s6], $0xF7A  }
0x23: {  	s9 =	sor.u32 $0xD0000000, s2;
	s6 =	simm.s32 $0x108;
	_ =	swait.ge @!p0 [sflag:s8], $0x0  }
0x24: {  	s3 =	sadd.s32 $0x88, s3;
	s6 =	simm.s32 @!p1 $0x1082;
	[sflag:s4] =	ssyncset.s32 $0xFFFFF086  }
0x25: {  	[simem:s6], [sflag:s4] =	dma.local [hbm:s3], $0xF7A  }
0x26: {  	[smem:$0x3F9D] =	sst s1;
	(tag) =	ssettag s2;
	_ =	strace s9  }
0x27: {  	s1 =	sld [smem:$0x3FAD]  }
0x28: {  	s2 =	sld [smem:$0x3FAE]  }
0x29: {  	s4 =	sld [smem:$0x3FB0]  }
0x2a: {  	p0 =	seq.s32 s5, $0x0;
	s5 =	sld [smem:$0x3FB1]  }
0x2b: {  	s6 =	sld [smem:$0x3FB2]  }
0x2c: {  	s7 =	sld [smem:$0x3FB3]  }
0x2d: {  	s3 =	simm.s32 $0x108;
	s8 =	sld [smem:$0x3FB4]  }
0x2e: {  	s3 =	simm.s32 @!p0 $0x1082;
	s9 =	sld [smem:$0x3FB5]  }
0x2f: {  	lr =	sadd.s32 s0, s3;
	s0 =	sld [smem:$0x3FAC]  }
0x30: {  	s3 =	sld [smem:$0x3FAF]  }
0x31: {  	[smem:$0x3FB8] =	sst s10  }
0x32: {  	s10 =	sld [smem:$0x3FB6];
	_ =	sdelay $0x3  }
0x33: {  	p0 =	seq.s32 s10, $0x1;
	s10 =	sld [smem:$0x3FB8];
	_ =	sdelay $0x3  }
0x34: {  	[smem:$0x3FB8] =	sst s10  }
0x35: {  	s10 =	sld [smem:$0x3FB7];
	_ =	sdelay $0x3  }
0x36: {  	p1 =	seq.s32 s10, $0x1;
	s10 =	sld [smem:$0x3FB8];
	_ =	sdelay $0x3  }
0x37: {  	[smem:$0x3FB8] =	sst s10  }
0x38: {  	s10 =	sld [smem:$0x3FB9]  }
0x39: {  	_ = 	snop;
	(pc) =	sbr.ind lr, $3  }
0x3a: {  	_ = 	snop  }
0x3b: {  	_ = 	snop  }
0x3c: {  	p2 =	seq.s32 s10, $0x1;
	s10 =	sld [smem:$0x3FB8]  }
0x3d: {  	_ =	shalt  }
0x3e: {  	_ =	shalt  }
0x3f: {  	_ =	shalt  }
0x40: {  	_ =	shalt  }
0x41: {  	_ =	shalt  }
0x42: {  	_ =	shalt  }
0x43: {  	_ =	shalt  }
0x44: {  	_ =	shalt  }
0x45: {  	_ =	shalt  }
0x46: {  	_ =	shalt  }
0x47: {  	_ =	shalt  }
0x48: {  	_ =	shalt  }
0x49: {  	_ =	shalt  }
0x4a: {  	_ =	shalt  }
0x4b: {  	_ =	shalt  }
0x4c: {  	_ =	shalt  }
0x4d: {  	_ =	shalt  }
0x4e: {  	_ =	shalt  }
0x4f: {  	_ =	shalt  }
0x50: {  	_ =	shalt  }
0x51: {  	_ =	shalt  }
0x52: {  	_ =	shalt  }
0x53: {  	_ =	shalt  }
0x54: {  	_ =	shalt  }
0x55: {  	_ =	shalt  }
0x56: {  	_ =	shalt  }
0x57: {  	_ =	shalt  }
0x58: {  	_ =	shalt  }
0x59: {  	_ =	shalt  }
0x5a: {  	_ =	shalt  }
0x5b: {  	_ =	shalt  }
0x5c: {  	_ =	shalt  }
0x5d: {  	_ =	shalt  }
0x5e: {  	_ =	shalt  }
0x5f: {  	_ =	shalt  }
0x60: {  	_ =	shalt  }
0x61: {  	_ =	shalt  }
0x62: {  	_ =	shalt  }
0x63: {  	_ =	shalt  }
0x64: {  	_ =	shalt  }
0x65: {  	_ =	shalt  }
0x66: {  	_ =	shalt  }
0x67: {  	_ =	shalt  }
0x68: {  	_ =	shalt  }
0x69: {  	_ =	shalt  }
0x6a: {  	_ =	shalt  }
0x6b: {  	_ =	shalt  }
0x6c: {  	_ =	shalt  }
0x6d: {  	_ =	shalt  }
0x6e: {  	_ =	shalt  }
0x6f: {  	_ =	shalt  }
0x70: {  	_ =	shalt  }
0x71: {  	_ =	shalt  }
0x72: {  	_ =	shalt  }
0x73: {  	_ =	shalt  }
0x74: {  	_ =	shalt  }
0x75: {  	_ =	shalt  }
0x76: {  	_ =	shalt  }
0x77: {  	_ =	shalt  }
0x78: {  	_ =	shalt  }
0x79: {  	_ =	shalt  }
0x7a: {  	_ =	shalt  }
0x7b: {  	_ =	shalt  }
0x7c: {  	_ =	shalt  }
0x7d: {  	_ =	shalt  }
0x7e: {  	_ =	shalt  }
0x7f: {  	_ =	shalt  }
0x80: {  	_ =	shalt  }
0x81: {  	_ =	shalt  }
0x82: {  	_ =	shalt  }
0x83: {  	_ =	shalt  }
0x84: {  	_ =	shalt  }
0x85: {  	_ =	shalt  }
0x86: {  	_ =	shalt  }
0x87: {  	_ =	shalt  }
.Lfunc_end0:
.L_simem_size_0:
called_computation.2_lowered:
.L_overlay_start_0:
0x88: {  	s2 =	sld [smem:$0x3FD9]  }
0x89: {  	s3 =	sld [smem:$0x3FFE];
	_ =	sdelay $0x1  }
0x8a: {  	s1 =	srdreg.scid  }
0x8b: {  	s0 =	sand.u32 $0x1, s1  }
0x8c: {  	s16 =	sshll.u32 s0, $0xA;
	s2 =	sadd.s32 s3, s2  }
0x8d: {  	s2 =	sadd.s32 s2, s16  }
0x8e: {  	[smem:$0x3FC4] =	sst s2  }
0x8f: {  	_ = 	snop  }
0x90: {  	(tm) =	ssettm $0x1  }
0x91: {  	s17 =	sld [smem:$0x3FFB];
	_ =	sdelay $0x3  }
0x92: {  	_ =	strace s17  }
0x93: {  	s2 =	sld [smem:$0x3FFC];
	_ =	sdelay $0x3  }
0x94: {  	_ =	strace s2  }
0x95: {  	s2 =	sld [smem:$0x3FFD];
	_ =	sdelay $0x3  }
0x96: {  	_ =	strace s2  }
0x97: {  	_ =	strace $0x8FFFFFFF  }
0x98: {  	s18 =	sld [smem:$0x3FDB];
	_ =	sdelay $0x1  }
0x99: {  	s19 =	simm.s32 $_scs_section_size  }
0x9a: {  	s4 =	simm.s32 $_size__tile_overlayer_lowered;
	s5 =	simm.s32 $_tile_overlayer_lowered  }
0x9b: {  	s22 =	simm.s32 $0x1BFF;
	s21 =	sshll.u32 s5, $0x1;
	s2 =	sadd.s32 s19, s18  }
0x9c: {  	s6 =	simm.s32 $0x0;
	s20 =	sshll.u32 s4, $0x1;
	s4 =	sadd.s32 s21, s2  }
0x9d: {  	[timem:s6], [sflag:s22] =	dma.local [hbm:s4], s20  }
0x9e: {  	_ =	swait.ge [sflag:s22], s20  }
0x9f: {  	s3 =	ssub.s32 $0x0, s20;
	[sflag:s22] =	ssyncset.done $0x0  }
0xa0: {  	[sflag:s22] =	ssyncadd.s32 s3;
	_ =	sdelay $0x1  }
0xa1: {  	s23 =	simm.s32 $0x1B8B  }
0xa2: {  	_ =	swait.ge [sflag:s23], $0x1  }
0xa3: {  	[sflag:s23] =	ssyncset.done $0x0  }
0xa4: {  	s25 =	simm.s32 $0x1B8E;
	s24 =	sld [smem:$0x3FFE];
	[sflag:s23] =	ssyncadd.s32 $0xFFFFFFFF  }
0xa5: {  	s26 =	simm.s32 $execute0_lowered;
	[smem:$0x3FD2] =	sst s25  }
0xa6: {  	s4 =	sshll.u32 s26, $0x1;
	_ =	strace $0x80000046;
	[dreg:$0x1] =	wrdreg $0xFFFFFFFF  }
0xa7: {  	s28 =	simm.s32 $_size_execute0_lowered;
	s2 =	sadd.s32 s2, s4;
	[dreg:$0x0] =	wrdreg $0x0  }
0xa8: {  	s4 =	sshll.u32 s28, $0x1;
	[dreg:$0x2] =	wrdreg s2  }
0xa9: {  	[dreg:$0x3] =	wrdreg s4  }
0xaa: {  	[dreg:$0x4] =	wrdreg $0xC0  }
0xab: {  	_ =	task [dreg:s6], $0x5FFFF  }
0xac: {  	[dreg:$0x1] =	wrdreg $0xFFFFFFFF  }
0xad: {  	[dreg:$0x0] =	wrdreg $0x60  }
0xae: {  	[dreg:$0x2] =	wrdreg s24  }
0xaf: {  	[dreg:$0x3] =	wrdreg $0x9  }
0xb0: {  	_ =	task.clear_ibuf [dreg:s6], $0x4FFFF;
	_ =	strace $0x90000046  }
0xb1: {  	s29 =	simm.s32 $0x9;
	_ =	strace $0x80000048  }
0xb2: {  	_ =	swait.ge [sflag:s29], $0x1  }
0xb3: {  	[sflag:s29] =	ssyncadd.s32 $0xFFFFFFFF  }
0xb4: {  	_ =	strace $0x90000048  }
0xb5: {  	_ =	sfence  }
0xb6: {  	s30 =	sld [smem:$0x0];
	_ =	sdelay $0x2  }
0xb7: {  	s31 =	sshll.u32 s1, $0xD;
	s1 =	sshrl.u32 s1, $0x2  }
0xb8: {  	s3 =	sand.u32 $0x4000, s31;
	s1 =	sadd.s32 s1, s30  }
0xb9: {  	s0 =	sor.u32 s3, s0;
	s1 =	sshll.u32 s1, $0x11  }
0xba: {  	s0 =	sor.u32 s1, s0  }
0xbb: {  	s0 =	sadd.s32 $0x8F2B, s0  }
0xbc: {  	[sflag:s0] =	ssyncadd.remote.s32 $0x1  }
0xbd: {  	_ =	sfence.sel $0xFFFF  }
0xbe: {  	[dreg:$0x0] =	wrdreg $0xFFFFFFFF;
	(pc) =	sbr.abs _section_cstart, $3  }
0xbf: {  	[dreg:$0x1] =	wrdreg $0xFFFFFFFF  }
0xc0: {  	_ =	task.clear_ibuf [dreg:s6], $0x2FFFF;
	_ =	strace $0x9FFFFFFF  }
0xc1: {  	(tm) =	ssettm $0x7FFFFFFF  }
tec
execute0_lowered:
.L_overlay_start_1:
0x0: {  	(tag) =	ssettag $0x1  }
0x1: {  	s8 =	rddreg [dreg:$0x0]  }
0x2: {  	s0 =	rddreg [dreg:$0x1];
	_ =	strace $0x80000047;
	s1 =	stileid.u32  }
0x3: {  	s3 =	srdreg.scid;
	s4 =	simm.s32 $0x1;
	s7 =	simm.s32 $0x1  }
0x4: {  	s9 =	simm.s32 $0x1;
	s10 =	simm.s32 $0x3;
	s13 =	simm.s32 $0x0  }
0x5: {  	s12 =	simm.s32 $0x0;
	s5 =	sand.u32 $0x1, s3;
	s6 =	sshll.u32 s1, $0x1  }
0x6: {  	s2 =	sadd.s32 $0x71E00, s8;
	s3 =	sadd.s32 $0x1600, s8;
	s5 =	sor.u32 s6, s5  }
.Ltmp0:
0x7: {  	[sflag:s4] =	ssyncpa.u1 $0x0;
	p0 =	slt.u32 s5, $0x5;
	(pc) =	sbr.rel .LBB2_1-.Ltmp0, $4  }
0x8: {  	s6 =	simm.s32 $0x2;
	s7 =	simm.s32 @!p0 $0x0;
	p0 =	sne.s32 s5, $0x4  }
0x9: {  	[sflag:s6] =	ssyncpa.u1 $0x0;
	s5 =	smul.u32 $0xFA0, s5;
	s9 =	simm.s32 @!p0 $0x0  }
0xa: {  	s8 =	sadd.s32 $0x1DE400, s8;
	[sflag:s10] =	ssyncpa.u1 $0x0;
	s7 =	sadd.s32 s9, s7  }
0xb: {  	vm0 =	vmmov $0xffff;
	s10 =	simm.s32 $0x0;
	s11 =	smov.u32 s5;
	s9 =	sadd.s32 $0x1, s7  }
.LBB2_4:
0xc: {  	v2 =	vnsel vm1, $0x0, v2  }
0xd: {  	vm1 =	vgt.s32 v0, $0x0;
	v2 =	vmin.u32 v2, $0x707FF  }
0xe: {  	v0 =	vnsel vm1, $0x0, v0  }
0xf: {  	v0 =	vmin.u32 v0, $0x707FF  }
0x10: {  	[tilespmem:s18], [sflag:$0x1] =	stream.indirect_vreg.gather [hbm4b:s2+s10], $0x1, v1, vm0, $0x4038;
	[tilespmem:$0x3E80] =	vst v63  }
0x11: {  	(ifvalue) =	ssetifvalue $0x7FFFFFFF  }
0x12: {  	[tilespmem:s15], [sflag:$0x1] =	stream.indirect_vreg.gather [hbm4b:s2+s10], $0x1, v2, vm0, $0x4038;
	[tilespmem:$0x3E80] =	vst v63  }
0x13: {  	s29 =	sadd.s32 $0x10, s15;
	(ifvalue) =	ssetifvalue $0x7FFFFFFF  }
0x14: {  	[tilespmem:s29], [sflag:$0x1] =	stream.indirect_vreg.gather [hbm4b:s2+s10], $0x1, v0, vm0, $0x4038;
	[tilespmem:$0x3E80] =	vst v63  }
0x15: {  	_ =	swait.ge [sflag:s4], $0xFA0  }
0x16: {  	s30 =	sshrl.u32 s13, $0x3;
	[sflag:s4] =	ssyncset.done $0x0  }
0x17: {  	s31 =	sand.u32 $0x7, s13;
	s15 =	sadd.s32 s8, s30;
	[sflag:s4] =	ssyncadd.s32 $0xFFFFF060  }
0x18: {  	[hbm4b:s15+s31] =	stream.linear.scatter [tilespmem:s14], [sflag:$0x3], $0xFA0, $0x38;
	[tilespmem:$0x3E80] =	vst v63  }
.LBB2_5:
0x19: {  	s15 =	sadd.s32 $0x1F400, s11  }
0x1a: {  	p1 =	sgt.s32 s15, $0x2327F  }
0x1b: {  	s15 =	smov.u32 @p1 s5;
	p1 =	sne.s32 s12, s9  }
.Ltmp1:
0x1c: {  	p0 =	slt.u32 s12, $0x2;
	(pc) =	sbr.rel @!p1 .LBB2_6-.Ltmp1, $4  }
0x1d: {  	s14 =	simm.s32 @!p0 $0x3  }
0x1e: {  	_ =	swait.ge @!p0 [sflag:s14], $0xFA0  }
0x1f: {  	s16 =	sadd.s32 $0x1, s12;
	s13 =	smov.u32 s11;
	[sflag:s14] =	ssyncset.done @!p0 $0x0  }
0x20: {  	s12 =	smov.u32 s16;
	s11 =	smov.u32 s15;
	[sflag:s14] =	ssyncadd.s32 @!p0 $0xFFFFF060  }
.LBB2_1:
0x21: {  	p0 =	sge.u32 s12, s7  }
0x22: {  	s14 =	sxor.u32 @!p0 $0x1, s12  }
0x23: {  	s14 =	smul.u32 @!p0 $0x3E80, s14  }
0x24: {  	s31 =	sadd.s32 $0xFFFFFFFF, s12;
	s15 =	sshrl.u32 @!p0 s11, $0x3  }
0x25: {  	s16 =	sand.u32 @!p0 $0x7, s11;
	s15 =	sadd.s32 @!p0 s3, s15;
	s14 =	sshra.s32 @!p0 s14, $0x2  }
0x26: {  	[tilespmem:s14], [sflag:$0x2] =	stream.linear.gather @!p0 [hbm4b:s15+s16], $0xFA0, $0x38;
	[tilespmem:$0x3E80] =	vst v63  }
0x27: {  	p0 =	sge.u32 s31, s7  }
.Ltmp2:
0x28: {  	_ = 	snop;
	(pc) =	sbr.rel @p0 .LBB2_5-.Ltmp2, $1  }
0x29: {  	_ =	sdelay $0x3  }
0x2a: {  	s14 =	sand.u32 $0x1, s12  }
0x2b: {  	_ =	swait.ge [sflag:s6], $0xFA0;
	p0 =	seq.s32 s14, $0x1;
	s14 =	simm.s32 $0xFA0  }
0x2c: {  	[sflag:s6] =	ssyncset.done $0x0;
	s14 =	simm.s32 @!p0 $0x0  }
0x2d: {  	[sflag:s6] =	ssyncadd.s32 $0xFFFFF060;
	(ifvalue) =	ssetifvalue $0x7FFFFFFF;
	v0 =	vld.msk [tilespmem:s14+$0x0 ss:$0x1], $0xffff;
	_ =	sdelay $0x4  }
0x2e: {  	s15 =	sadd.s32 $0x10, s14;
	vm1 =	vgt.s32 v0, $0x0  }
0x2f: {  	v2 =	vld.msk [tilespmem:s15+$0x0 ss:$0x1], $0xffff;
	v1 =	vnsel vm1, $0x0, v0  }
0x30: {  	v1 =	vmin.u32 v1, $0x707FF;
	_ =	sdelay $0x2  }
0x31: {  	s17 =	simm.s32 $0x20;
	s14 =	sadd.s32 $0x1F40, s14;
	s16 =	sadd.s32 $0x10, s15  }
0x32: {  	s15 =	sadd.s32 $0x10, s14;
	s18 =	smov.u32 s14;
	v0 =	vld.msk [tilespmem:s16+$0x0 ss:$0x1], $0xffff;
	vm1 =	vgt.s32 v2, $0x0;
	(ifvalue) =	ssetifvalue $0x7FFFFFFF  }
.LBB2_3:
0x33: {  	[tilespmem:s18], [sflag:$0x1] =	stream.indirect_vreg.gather [hbm4b:s2+s10], $0x1, v1, vm0, $0x4038;
	[tilespmem:$0x3E80] =	vst v63  }
0x34: {  	s17 =	sadd.s32 $0x10, s17  }
0x35: {  	v2 =	vnsel vm1, $0x0, v2;
	p0 =	slt.u32 s17, $0xF90  }
.Ltmp3:
0x36: {  	s18 =	smov.u32 s15;
	v1 =	vmin.u32 v2, $0x707FF;
	(pc) =	sbr.rel @p0 .LBB2_3-.Ltmp3, $3  }
0x37: {  	_ =	sdelay $0x1  }
0x38: {  	s16 =	sadd.s32 $0x10, s16  }
0x39: {  	vm1 =	vgt.s32 v0, $0x0;
	s15 =	sadd.s32 $0x10, s15;
	v2 =	vmov v0;
	(ifvalue) =	ssetifvalue $0x7FFFFFFF;
	v0 =	vld.msk [tilespmem:s16+$0x0 ss:$0x1], $0xffff  }
.Ltmp4:
0x3a: {  	_ = 	snop;
	(pc) =	sbr.rel .LBB2_4-.Ltmp4, $1  }
0x3b: {  	_ =	sdelay $0x3  }
.LBB2_6:
0x3c: {  	_ =	sfence.sel $0x180000  }
0x3d: {  	s2 =	simm.s32 $0x2;
	[bflag:$0x0] =	sbarrier.arrive $0xFFFF  }
0x3e: {  	s30 =	simm.s32 $0x3;
	[sflag:s2] =	ssyncpa.u1 $0x1  }
0x3f: {  	s31 =	simm.s32 $0x1;
	[sflag:s30] =	ssyncpa.u1 $0x1  }
0x40: {  	[sflag:s31] =	ssyncpa.u1 $0x1  }
0x41: {  	p0 =	sne.s32 s1, $0x0;
	_ =	strace $0x90000047  }
0x42: {  	s0 =	sadd.s32 @!p0 $0x100000, s0;
	[bflag:$0x2] =	sbarrier.arrive $0xFFFF  }
0x43: {  	[sflag:s0] =	ssyncadd.tile.s32 @!p0 $0x1;
	_ =	shalt  }
.Lfunc_end2:
_tile_overlayer_lowered:
.L_overlay_start_2:
0x44: {  	(tag) =	ssettag $0x2  }
0x45: {  	s0 =	rddreg [dreg:$0x0];
	s2 =	stileid.u32  }
0x46: {  	s1 =	rddreg [dreg:$0x1];
	p0 =	sne.s32 s2, $0x0  }
0x47: {  	s3 =	rddreg [dreg:$0x2];
	[bflag:$0x3] =	sbarrier.arrive $0xFFFF;
	s2 =	simm.s32 @!p0 $0x1C01  }
0x48: {  	[timem:s3], [sflag:s2] =	dma.local @!p0 [hbm:s0], s1  }
0x49: {  	s0 =	simm.s32 @!p0 $0x1  }
0x4a: {  	_ =	swait.ge @!p0 [sflag:s0], s1  }
0x4b: {  	s1 =	ssub.s32 @!p0 $0x0, s1;
	[sflag:s0] =	ssyncset.done @!p0 $0x0  }
0x4c: {  	[sflag:s0] =	ssyncadd.s32 @!p0 s1  }
0x4d: {  	[bflag:$0x3] =	sbarrier.arrive $0xFFFF  }
0x4e: {  	_ =	shalt  }

// kernel: gather_offload_async_start
scs
__scs_entry_jumppad:
0x0: {  	(pc) =	sbr.rel $0x88, $3  }
0x1: {  	(tag) =	ssettag $0x0;
	lr =	simm.s32 $0x1  }
0x2: {  	[smem:$0x3F9D] =	sst lr;
	_ =	strace $0xD0000000  }
0x3: {  	_ = 	snop  }
0x4: {  	_ = 	snop  }
0x5: {  	_ = 	snop  }
0x6: {  	_ = 	snop  }
0x7: {  	_ = 	snop  }
__scs_overlays_trampoline_lowered:
0x8: {  	[smem:$0x3FAC] =	sst s0  }
0x9: {  	[smem:$0x3FAD] =	sst s1  }
0xa: {  	[smem:$0x3FAE] =	sst s2  }
0xb: {  	[smem:$0x3FAF] =	sst s3  }
0xc: {  	[smem:$0x3FB0] =	sst s4  }
0xd: {  	[smem:$0x3FB1] =	sst s5  }
0xe: {  	[smem:$0x3FB2] =	sst s6  }
0xf: {  	[smem:$0x3FB3] =	sst s7  }
0x10: {  	[smem:$0x3FB4] =	sst s8  }
0x11: {  	[smem:$0x3FB5] =	sst s9;
	s0 =	simm.s32 @!p0 $0x0  }
0x12: {  	s1 =	sld [smem:$0x3F9B];
	s0 =	simm.s32 @p0 $0x1  }
0x13: {  	[smem:$0x3FB6] =	sst s0;
	s0 =	simm.s32 @!p1 $0x0  }
0x14: {  	s2 =	sld [smem:$0x3F9A];
	s0 =	simm.s32 @p1 $0x1  }
0x15: {  	[smem:$0x3FB7] =	sst s0;
	s0 =	simm.s32 @!p2 $0x0  }
0x16: {  	s3 =	sld [smem:$0x3FDB];
	s0 =	simm.s32 @p2 $0x1  }
0x17: {  	s4 =	simm.s32 $0x1BF5;
	[smem:$0x3FB9] =	sst s0  }
0x18: {  	s0 =	sld [smem:$0x3F9C];
	_ =	swait.ge [sflag:s4], $0x0  }
0x19: {  	s7 =	sld [smem:$0x3F9D]  }
0x1a: {  	s8 =	sadd.s32 $0xFFFFE003, lr  }
0x1b: {  	s9 =	sadd.s32 $0xFFFFFEF7, lr;
	s5 =	simm.s32 $0xFFFFFFFF;
	p2 =	slt.u32 s8, $0xFFFFF086  }
0x1c: {  	p1 =	slt.u32 s9, $0xF7A;
	s5 =	simm.s32 @!p2 $0x0  }
0x1d: {  	s5 =	simm.s32 @p1 $0x1;
	p0 =	seq.s32 s7, s2  }
0x1e: {  	s7 =	smul.u32 @!p0 $0xF7A, s2;
	p2 =	seq.s32 @!p0 s5, $0x0  }
0x1f: {  	s9 =	smul.u32 $0xF7A, s1;
	s8 =	simm.s32 @!p0 $0x1BF5;
	p2 =	por !p2, p0  }
0x20: {  	[sflag:s8] =	ssyncset.s32 @!p0 $0xFFFFF086;
	s6 =	sadd.s32 @!p0 s3, s7;
	s7 =	simm.s32 @!p0 $0x108  }
0x21: {  	s3 =	sadd.s32 s3, s9;
	s6 =	sadd.s32 @!p0 $0x88, s6;
	s7 =	simm.s32 @p2 $0x1082  }
0x22: {  	[simem:s7], [sflag:s8] =	dma.local @!p0 [hbm:s6], $0xF7A  }
0x23: {  	s9 =	sor.u32 $0xD0000000, s2;
	s6 =	simm.s32 $0x108;
	_ =	swait.ge @!p0 [sflag:s8], $0x0  }
0x24: {  	s3 =	sadd.s32 $0x88, s3;
	s6 =	simm.s32 @!p1 $0x1082;
	[sflag:s4] =	ssyncset.s32 $0xFFFFF086  }
0x25: {  	[simem:s6], [sflag:s4] =	dma.local [hbm:s3], $0xF7A  }
0x26: {  	[smem:$0x3F9D] =	sst s1;
	(tag) =	ssettag s2;
	_ =	strace s9  }
0x27: {  	s1 =	sld [smem:$0x3FAD]  }
0x28: {  	s2 =	sld [smem:$0x3FAE]  }
0x29: {  	s4 =	sld [smem:$0x3FB0]  }
0x2a: {  	p0 =	seq.s32 s5, $0x0;
	s5 =	sld [smem:$0x3FB1]  }
0x2b: {  	s6 =	sld [smem:$0x3FB2]  }
0x2c: {  	s7 =	sld [smem:$0x3FB3]  }
0x2d: {  	s3 =	simm.s32 $0x108;
	s8 =	sld [smem:$0x3FB4]  }
0x2e: {  	s3 =	simm.s32 @!p0 $0x1082;
	s9 =	sld [smem:$0x3FB5]  }
0x2f: {  	lr =	sadd.s32 s0, s3;
	s0 =	sld [smem:$0x3FAC]  }
0x30: {  	s3 =	sld [smem:$0x3FAF]  }
0x31: {  	[smem:$0x3FB8] =	sst s10  }
0x32: {  	s10 =	sld [smem:$0x3FB6];
	_ =	sdelay $0x3  }
0x33: {  	p0 =	seq.s32 s10, $0x1;
	s10 =	sld [smem:$0x3FB8];
	_ =	sdelay $0x3  }
0x34: {  	[smem:$0x3FB8] =	sst s10  }
0x35: {  	s10 =	sld [smem:$0x3FB7];
	_ =	sdelay $0x3  }
0x36: {  	p1 =	seq.s32 s10, $0x1;
	s10 =	sld [smem:$0x3FB8];
	_ =	sdelay $0x3  }
0x37: {  	[smem:$0x3FB8] =	sst s10  }
0x38: {  	s10 =	sld [smem:$0x3FB9]  }
0x39: {  	_ = 	snop;
	(pc) =	sbr.ind lr, $3  }
0x3a: {  	_ = 	snop  }
0x3b: {  	_ = 	snop  }
0x3c: {  	p2 =	seq.s32 s10, $0x1;
	s10 =	sld [smem:$0x3FB8]  }
0x3d: {  	_ =	shalt  }
0x3e: {  	_ =	shalt  }
0x3f: {  	_ =	shalt  }
0x40: {  	_ =	shalt  }
0x41: {  	_ =	shalt  }
0x42: {  	_ =	shalt  }
0x43: {  	_ =	shalt  }
0x44: {  	_ =	shalt  }
0x45: {  	_ =	shalt  }
0x46: {  	_ =	shalt  }
0x47: {  	_ =	shalt  }
0x48: {  	_ =	shalt  }
0x49: {  	_ =	shalt  }
0x4a: {  	_ =	shalt  }
0x4b: {  	_ =	shalt  }
0x4c: {  	_ =	shalt  }
0x4d: {  	_ =	shalt  }
0x4e: {  	_ =	shalt  }
0x4f: {  	_ =	shalt  }
0x50: {  	_ =	shalt  }
0x51: {  	_ =	shalt  }
0x52: {  	_ =	shalt  }
0x53: {  	_ =	shalt  }
0x54: {  	_ =	shalt  }
0x55: {  	_ =	shalt  }
0x56: {  	_ =	shalt  }
0x57: {  	_ =	shalt  }
0x58: {  	_ =	shalt  }
0x59: {  	_ =	shalt  }
0x5a: {  	_ =	shalt  }
0x5b: {  	_ =	shalt  }
0x5c: {  	_ =	shalt  }
0x5d: {  	_ =	shalt  }
0x5e: {  	_ =	shalt  }
0x5f: {  	_ =	shalt  }
0x60: {  	_ =	shalt  }
0x61: {  	_ =	shalt  }
0x62: {  	_ =	shalt  }
0x63: {  	_ =	shalt  }
0x64: {  	_ =	shalt  }
0x65: {  	_ =	shalt  }
0x66: {  	_ =	shalt  }
0x67: {  	_ =	shalt  }
0x68: {  	_ =	shalt  }
0x69: {  	_ =	shalt  }
0x6a: {  	_ =	shalt  }
0x6b: {  	_ =	shalt  }
0x6c: {  	_ =	shalt  }
0x6d: {  	_ =	shalt  }
0x6e: {  	_ =	shalt  }
0x6f: {  	_ =	shalt  }
0x70: {  	_ =	shalt  }
0x71: {  	_ =	shalt  }
0x72: {  	_ =	shalt  }
0x73: {  	_ =	shalt  }
0x74: {  	_ =	shalt  }
0x75: {  	_ =	shalt  }
0x76: {  	_ =	shalt  }
0x77: {  	_ =	shalt  }
0x78: {  	_ =	shalt  }
0x79: {  	_ =	shalt  }
0x7a: {  	_ =	shalt  }
0x7b: {  	_ =	shalt  }
0x7c: {  	_ =	shalt  }
0x7d: {  	_ =	shalt  }
0x7e: {  	_ =	shalt  }
0x7f: {  	_ =	shalt  }
0x80: {  	_ =	shalt  }
0x81: {  	_ =	shalt  }
0x82: {  	_ =	shalt  }
0x83: {  	_ =	shalt  }
0x84: {  	_ =	shalt  }
0x85: {  	_ =	shalt  }
0x86: {  	_ =	shalt  }
0x87: {  	_ =	shalt  }
.Lfunc_end0:
.L_simem_size_0:
called_computation_lowered:
.L_overlay_start_0:
0x88: {  	s2 =	sld [smem:$0x3FD9]  }
0x89: {  	s3 =	sld [smem:$0x3FFE];
	_ =	sdelay $0x1  }
0x8a: {  	s1 =	srdreg.scid  }
0x8b: {  	s0 =	sand.u32 $0x1, s1  }
0x8c: {  	s16 =	sshll.u32 s0, $0xA;
	s2 =	sadd.s32 s3, s2  }
0x8d: {  	s2 =	sadd.s32 s2, s16  }
0x8e: {  	[smem:$0x3FC4] =	sst s2  }
0x8f: {  	_ = 	snop  }
0x90: {  	(tm) =	ssettm $0x1  }
0x91: {  	s17 =	sld [smem:$0x3FFB];
	_ =	sdelay $0x3  }
0x92: {  	_ =	strace s17  }
0x93: {  	s2 =	sld [smem:$0x3FFC];
	_ =	sdelay $0x3  }
0x94: {  	_ =	strace s2  }
0x95: {  	s2 =	sld [smem:$0x3FFD];
	_ =	sdelay $0x3  }
0x96: {  	_ =	strace s2  }
0x97: {  	_ =	strace $0x8FFFFFFF  }
0x98: {  	s18 =	sld [smem:$0x3FDB];
	_ =	sdelay $0x1  }
0x99: {  	s19 =	simm.s32 $_scs_section_size  }
0x9a: {  	s4 =	simm.s32 $_size__tile_overlayer_lowered;
	s5 =	simm.s32 $_tile_overlayer_lowered  }
0x9b: {  	s22 =	simm.s32 $0x1BFF;
	s21 =	sshll.u32 s5, $0x1;
	s2 =	sadd.s32 s19, s18  }
0x9c: {  	s6 =	simm.s32 $0x0;
	s20 =	sshll.u32 s4, $0x1;
	s4 =	sadd.s32 s21, s2  }
0x9d: {  	[timem:s6], [sflag:s22] =	dma.local [hbm:s4], s20  }
0x9e: {  	_ =	swait.ge [sflag:s22], s20  }
0x9f: {  	s3 =	ssub.s32 $0x0, s20;
	[sflag:s22] =	ssyncset.done $0x0  }
0xa0: {  	[sflag:s22] =	ssyncadd.s32 s3;
	_ =	sdelay $0x1  }
0xa1: {  	s23 =	simm.s32 $0x1B8B  }
0xa2: {  	_ =	swait.ge [sflag:s23], $0x1  }
0xa3: {  	[sflag:s23] =	ssyncset.done $0x0  }
0xa4: {  	s25 =	simm.s32 $0x1B8E;
	s24 =	sld [smem:$0x3FFE];
	[sflag:s23] =	ssyncadd.s32 $0xFFFFFFFF  }
0xa5: {  	s26 =	simm.s32 $execute0_lowered;
	[smem:$0x3FD2] =	sst s25  }
0xa6: {  	s4 =	sshll.u32 s26, $0x1;
	_ =	strace $0x80000049;
	[dreg:$0x1] =	wrdreg $0xFFFFFFFF  }
0xa7: {  	s28 =	simm.s32 $_size_execute0_lowered;
	s2 =	sadd.s32 s2, s4;
	[dreg:$0x0] =	wrdreg $0x0  }
0xa8: {  	s4 =	sshll.u32 s28, $0x1;
	[dreg:$0x2] =	wrdreg s2  }
0xa9: {  	[dreg:$0x3] =	wrdreg s4  }
0xaa: {  	[dreg:$0x4] =	wrdreg $0xC0  }
0xab: {  	_ =	task [dreg:s6], $0x5FFFF  }
0xac: {  	[dreg:$0x1] =	wrdreg $0xFFFFFFFF  }
0xad: {  	[dreg:$0x0] =	wrdreg $0x60  }
0xae: {  	[dreg:$0x2] =	wrdreg s24  }
0xaf: {  	[dreg:$0x3] =	wrdreg $0x9  }
0xb0: {  	_ =	task.clear_ibuf [dreg:s6], $0x4FFFF;
	_ =	strace $0x90000049  }
0xb1: {  	s29 =	simm.s32 $0x9;
	_ =	strace $0x8000004B  }
0xb2: {  	_ =	swait.ge [sflag:s29], $0x1  }
0xb3: {  	[sflag:s29] =	ssyncadd.s32 $0xFFFFFFFF  }
0xb4: {  	_ =	strace $0x9000004B  }
0xb5: {  	_ =	sfence  }
0xb6: {  	s30 =	sld [smem:$0x0];
	_ =	sdelay $0x2  }
0xb7: {  	s31 =	sshll.u32 s1, $0xD;
	s1 =	sshrl.u32 s1, $0x2  }
0xb8: {  	s3 =	sand.u32 $0x4000, s31;
	s1 =	sadd.s32 s1, s30  }
0xb9: {  	s0 =	sor.u32 s3, s0;
	s1 =	sshll.u32 s1, $0x11  }
0xba: {  	s0 =	sor.u32 s1, s0  }
0xbb: {  	s0 =	sadd.s32 $0x8F2B, s0  }
0xbc: {  	[sflag:s0] =	ssyncadd.remote.s32 $0x1  }
0xbd: {  	_ =	sfence.sel $0xFFFF  }
0xbe: {  	[dreg:$0x0] =	wrdreg $0xFFFFFFFF;
	(pc) =	sbr.abs _section_cstart, $3  }
0xbf: {  	[dreg:$0x1] =	wrdreg $0xFFFFFFFF  }
0xc0: {  	_ =	task.clear_ibuf [dreg:s6], $0x2FFFF;
	_ =	strace $0x9FFFFFFF  }
0xc1: {  	(tm) =	ssettm $0x7FFFFFFF  }
tec
execute0_lowered:
.L_overlay_start_1:
0x0: {  	(tag) =	ssettag $0x1  }
0x1: {  	s8 =	rddreg [dreg:$0x0]  }
0x2: {  	s0 =	rddreg [dreg:$0x1];
	_ =	strace $0x8000004A;
	s1 =	stileid.u32  }
0x3: {  	s3 =	srdreg.scid;
	s4 =	simm.s32 $0x1;
	s7 =	simm.s32 $0x1  }
0x4: {  	s9 =	simm.s32 $0x1;
	s10 =	simm.s32 $0x3;
	s13 =	simm.s32 $0x0  }
0x5: {  	s12 =	simm.s32 $0x0;
	s5 =	sand.u32 $0x1, s3;
	s6 =	sshll.u32 s1, $0x1  }
0x6: {  	s2 =	sadd.s32 $0x84800, s8;
	s3 =	sadd.s32 $0x80000, s8;
	s5 =	sor.u32 s6, s5  }
.Ltmp0:
0x7: {  	[sflag:s4] =	ssyncpa.u1 $0x0;
	p0 =	slt.u32 s5, $0x5;
	(pc) =	sbr.rel .LBB2_1-.Ltmp0, $4  }
0x8: {  	s6 =	simm.s32 $0x2;
	s7 =	simm.s32 @!p0 $0x0;
	p0 =	sne.s32 s5, $0x4  }
0x9: {  	[sflag:s6] =	ssyncpa.u1 $0x0;
	s5 =	smul.u32 $0xFA0, s5;
	s9 =	simm.s32 @!p0 $0x0  }
0xa: {  	s8 =	sadd.s32 $0x1600, s8;
	[sflag:s10] =	ssyncpa.u1 $0x0;
	s7 =	sadd.s32 s9, s7  }
0xb: {  	vm0 =	vmmov $0xffff;
	s10 =	simm.s32 $0x0;
	s11 =	smov.u32 s5;
	s9 =	sadd.s32 $0x1, s7  }
.LBB2_4:
0xc: {  	v2 =	vnsel vm1, $0x0, v2  }
0xd: {  	vm1 =	vgt.s32 v0, $0x0;
	v2 =	vmin.u32 v2, $0x707FFF  }
0xe: {  	v0 =	vnsel vm1, $0x0, v0  }
0xf: {  	v0 =	vmin.u32 v0, $0x707FFF  }
0x10: {  	[tilespmem:s18], [sflag:$0x1] =	stream.indirect_vreg.gather [hbm4b:s2+s10], $0x1, v1, vm0, $0x4038;
	[tilespmem:$0x3E80] =	vst v63  }
0x11: {  	(ifvalue) =	ssetifvalue $0x7FFFFFFF  }
0x12: {  	[tilespmem:s15], [sflag:$0x1] =	stream.indirect_vreg.gather [hbm4b:s2+s10], $0x1, v2, vm0, $0x4038;
	[tilespmem:$0x3E80] =	vst v63  }
0x13: {  	s29 =	sadd.s32 $0x10, s15;
	(ifvalue) =	ssetifvalue $0x7FFFFFFF  }
0x14: {  	[tilespmem:s29], [sflag:$0x1] =	stream.indirect_vreg.gather [hbm4b:s2+s10], $0x1, v0, vm0, $0x4038;
	[tilespmem:$0x3E80] =	vst v63  }
0x15: {  	_ =	swait.ge [sflag:s4], $0xFA0  }
0x16: {  	s30 =	sshrl.u32 s13, $0x3;
	[sflag:s4] =	ssyncset.done $0x0  }
0x17: {  	s31 =	sand.u32 $0x7, s13;
	s15 =	sadd.s32 s8, s30;
	[sflag:s4] =	ssyncadd.s32 $0xFFFFF060  }
0x18: {  	[hbm4b:s15+s31] =	stream.linear.scatter [tilespmem:s14], [sflag:$0x3], $0xFA0, $0x38;
	[tilespmem:$0x3E80] =	vst v63  }
.LBB2_5:
0x19: {  	s15 =	sadd.s32 $0x1F400, s11  }
0x1a: {  	p1 =	sgt.s32 s15, $0x2327F  }
0x1b: {  	s15 =	smov.u32 @p1 s5;
	p1 =	sne.s32 s12, s9  }
.Ltmp1:
0x1c: {  	p0 =	slt.u32 s12, $0x2;
	(pc) =	sbr.rel @!p1 .LBB2_6-.Ltmp1, $4  }
0x1d: {  	s14 =	simm.s32 @!p0 $0x3  }
0x1e: {  	_ =	swait.ge @!p0 [sflag:s14], $0xFA0  }
0x1f: {  	s16 =	sadd.s32 $0x1, s12;
	s13 =	smov.u32 s11;
	[sflag:s14] =	ssyncset.done @!p0 $0x0  }
0x20: {  	s12 =	smov.u32 s16;
	s11 =	smov.u32 s15;
	[sflag:s14] =	ssyncadd.s32 @!p0 $0xFFFFF060  }
.LBB2_1:
0x21: {  	p0 =	sge.u32 s12, s7  }
0x22: {  	s14 =	sxor.u32 @!p0 $0x1, s12  }
0x23: {  	s14 =	smul.u32 @!p0 $0x3E80, s14  }
0x24: {  	s31 =	sadd.s32 $0xFFFFFFFF, s12;
	s15 =	sshrl.u32 @!p0 s11, $0x3  }
0x25: {  	s16 =	sand.u32 @!p0 $0x7, s11;
	s15 =	sadd.s32 @!p0 s3, s15;
	s14 =	sshra.s32 @!p0 s14, $0x2  }
0x26: {  	[tilespmem:s14], [sflag:$0x2] =	stream.linear.gather @!p0 [hbm4b:s15+s16], $0xFA0, $0x38;
	[tilespmem:$0x3E80] =	vst v63  }
0x27: {  	p0 =	sge.u32 s31, s7  }
.Ltmp2:
0x28: {  	_ = 	snop;
	(pc) =	sbr.rel @p0 .LBB2_5-.Ltmp2, $1  }
0x29: {  	_ =	sdelay $0x3  }
0x2a: {  	s14 =	sand.u32 $0x1, s12  }
0x2b: {  	_ =	swait.ge [sflag:s6], $0xFA0;
	p0 =	seq.s32 s14, $0x1;
	s14 =	simm.s32 $0xFA0  }
0x2c: {  	[sflag:s6] =	ssyncset.done $0x0;
	s14 =	simm.s32 @!p0 $0x0  }
0x2d: {  	[sflag:s6] =	ssyncadd.s32 $0xFFFFF060;
	(ifvalue) =	ssetifvalue $0x7FFFFFFF;
	v0 =	vld.msk [tilespmem:s14+$0x0 ss:$0x1], $0xffff;
	_ =	sdelay $0x4  }
0x2e: {  	s15 =	sadd.s32 $0x10, s14;
	vm1 =	vgt.s32 v0, $0x0  }
0x2f: {  	v2 =	vld.msk [tilespmem:s15+$0x0 ss:$0x1], $0xffff;
	v1 =	vnsel vm1, $0x0, v0  }
0x30: {  	v1 =	vmin.u32 v1, $0x707FFF;
	_ =	sdelay $0x2  }
0x31: {  	s17 =	simm.s32 $0x20;
	s14 =	sadd.s32 $0x1F40, s14;
	s16 =	sadd.s32 $0x10, s15  }
0x32: {  	s15 =	sadd.s32 $0x10, s14;
	s18 =	smov.u32 s14;
	v0 =	vld.msk [tilespmem:s16+$0x0 ss:$0x1], $0xffff;
	vm1 =	vgt.s32 v2, $0x0;
	(ifvalue) =	ssetifvalue $0x7FFFFFFF  }
.LBB2_3:
0x33: {  	[tilespmem:s18], [sflag:$0x1] =	stream.indirect_vreg.gather [hbm4b:s2+s10], $0x1, v1, vm0, $0x4038;
	[tilespmem:$0x3E80] =	vst v63  }
0x34: {  	s17 =	sadd.s32 $0x10, s17  }
0x35: {  	v2 =	vnsel vm1, $0x0, v2;
	p0 =	slt.u32 s17, $0xF90  }
.Ltmp3:
0x36: {  	s18 =	smov.u32 s15;
	v1 =	vmin.u32 v2, $0x707FFF;
	(pc) =	sbr.rel @p0 .LBB2_3-.Ltmp3, $3  }
0x37: {  	_ =	sdelay $0x1  }
0x38: {  	s16 =	sadd.s32 $0x10, s16  }
0x39: {  	vm1 =	vgt.s32 v0, $0x0;
	s15 =	sadd.s32 $0x10, s15;
	v2 =	vmov v0;
	(ifvalue) =	ssetifvalue $0x7FFFFFFF;
	v0 =	vld.msk [tilespmem:s16+$0x0 ss:$0x1], $0xffff  }
.Ltmp4:
0x3a: {  	_ = 	snop;
	(pc) =	sbr.rel .LBB2_4-.Ltmp4, $1  }
0x3b: {  	_ =	sdelay $0x3  }
.LBB2_6:
0x3c: {  	_ =	sfence.sel $0x180000  }
0x3d: {  	s2 =	simm.s32 $0x2;
	[bflag:$0x0] =	sbarrier.arrive $0xFFFF  }
0x3e: {  	s30 =	simm.s32 $0x3;
	[sflag:s2] =	ssyncpa.u1 $0x1  }
0x3f: {  	s31 =	simm.s32 $0x1;
	[sflag:s30] =	ssyncpa.u1 $0x1  }
0x40: {  	[sflag:s31] =	ssyncpa.u1 $0x1  }
0x41: {  	p0 =	sne.s32 s1, $0x0;
	_ =	strace $0x9000004A  }
0x42: {  	s0 =	sadd.s32 @!p0 $0x100000, s0;
	[bflag:$0x2] =	sbarrier.arrive $0xFFFF  }
0x43: {  	[sflag:s0] =	ssyncadd.tile.s32 @!p0 $0x1;
	_ =	shalt  }
.Lfunc_end2:
_tile_overlayer_lowered:
.L_overlay_start_2:
0x44: {  	(tag) =	ssettag $0x2  }
0x45: {  	s0 =	rddreg [dreg:$0x0];
	s2 =	stileid.u32  }
0x46: {  	s1 =	rddreg [dreg:$0x1];
	p0 =	sne.s32 s2, $0x0  }
0x47: {  	s3 =	rddreg [dreg:$0x2];
	[bflag:$0x3] =	sbarrier.arrive $0xFFFF;
	s2 =	simm.s32 @!p0 $0x1C01  }
0x48: {  	[timem:s3], [sflag:s2] =	dma.local @!p0 [hbm:s0], s1  }
0x49: {  	s0 =	simm.s32 @!p0 $0x1  }
0x4a: {  	_ =	swait.ge @!p0 [sflag:s0], s1  }
0x4b: {  	s1 =	ssub.s32 @!p0 $0x0, s1;
	[sflag:s0] =	ssyncset.done @!p0 $0x0  }
0x4c: {  	[sflag:s0] =	ssyncadd.s32 @!p0 s1  }
0x4d: {  	[bflag:$0x3] =	sbarrier.arrive $0xFFFF  }
0x4e: {  	_ =	shalt  }

</sc_bundles>
